<compile_context>
chip_gen: v7x
topology: tpu7x:2x2x1
jax: 0.10.2.dev20260603
libtpu: 0.0.44.dev20260713+nightly
codegen_flags: <defaults>
</compile_context>

<pallas_src>
import functools

import jax
import jax.numpy as jnp
from jax import lax
from jax.experimental import pallas as pl
from jax.experimental.pallas import tpu as pltpu
from jax.experimental.pallas import tpu_sc as plsc

NC = 2
NS = 16
L = 16
CHUNK = 128


def _deg_kernel(n_pad, e_pad):
    n_per_tile = n_pad // NS
    e_per_w = e_pad // (NC * NS)
    n_chunks = e_per_w // CHUNK
    mesh = plsc.VectorSubcoreMesh(core_axis_name="c", subcore_axis_name="s")

    @functools.partial(
        pl.kernel,
        out_type=jax.ShapeDtypeStruct((NC, n_pad, L), jnp.float32),
        mesh=mesh,
        scratch_types=[
            pltpu.VMEM_SHARED((n_pad, L), jnp.float32),
            pltpu.VMEM((n_per_tile, L), jnp.float32),
            pltpu.VMEM((CHUNK, L), jnp.float32),
            pltpu.VMEM((CHUNK,), jnp.int32),
        ],
    )
    def k(dst_hbm, out_hbm, acc_sh, zbuf, ones_v, idx_v):
        c = lax.axis_index("c")
        s = lax.axis_index("s")
        wid = c * NS + s

        def fill(i, _):
            zbuf[i, :] = jnp.zeros((L,), jnp.float32)
            return 0

        lax.fori_loop(0, n_per_tile, fill, 0)

        def fill1(i, _):
            ones_v[i, :] = jnp.full((L,), 1.0, jnp.float32)
            return 0

        lax.fori_loop(0, CHUNK, fill1, 0)
        pltpu.sync_copy(zbuf, acc_sh.at[pl.ds(s * n_per_tile, n_per_tile)])
        plsc.subcore_barrier()

        base = wid * e_per_w

        def body(kk, _):
            pltpu.sync_copy(dst_hbm.at[pl.ds(base + kk * CHUNK, CHUNK)], idx_v)
            pltpu.sync_copy(ones_v, acc_sh.at[idx_v], add=True)
            return 0

        lax.fori_loop(0, n_chunks, body, 0)
        plsc.subcore_barrier()
        pltpu.sync_copy(
            acc_sh.at[pl.ds(s * n_per_tile, n_per_tile)],
            out_hbm.at[c].at[pl.ds(s * n_per_tile, n_per_tile)],
        )

    return k


def _edge_kernel(n_pad, e_pad, dh):
    n_per_tile = n_pad // NS
    e_per_tile = e_pad // NS
    n_chunks = e_per_tile // CHUNK
    zrows = 128
    mesh = plsc.VectorSubcoreMesh(core_axis_name="c", subcore_axis_name="s")

    @functools.partial(
        pl.kernel,
        out_type=jax.ShapeDtypeStruct((NC, n_pad, dh), jnp.float32),
        mesh=mesh,
        scratch_types=[
            pltpu.VMEM_SHARED((n_pad, dh), jnp.float32),
            pltpu.VMEM((zrows, dh), jnp.float32),
            pltpu.VMEM((CHUNK, dh), jnp.float32),
            pltpu.VMEM((CHUNK,), jnp.int32),
            pltpu.VMEM((CHUNK,), jnp.int32),
            pltpu.SemaphoreType.DMA,
        ],
    )
    def k(src_hbm, dst_hbm, hs_hbm, out_hbm, acc_sh, zbuf, rows_v, isrc, idst, sem):
        c = lax.axis_index("c")
        s = lax.axis_index("s")

        def fill(i, _):
            for j in range(dh // L):
                zbuf[i, pl.ds(j * L, L)] = jnp.zeros((L,), jnp.float32)
            return 0

        lax.fori_loop(0, zrows, fill, 0)
        for r in range(n_per_tile // zrows):
            pltpu.sync_copy(
                zbuf, acc_sh.at[pl.ds(s * n_per_tile + r * zrows, zrows)]
            )
        plsc.subcore_barrier()

        base = s * e_per_tile

        def body(kk, _):
            off = base + kk * CHUNK
            pltpu.sync_copy(src_hbm.at[pl.ds(off, CHUNK)], isrc)
            pltpu.sync_copy(dst_hbm.at[pl.ds(off, CHUNK)], idst)
            pltpu.async_copy(hs_hbm.at[c].at[isrc], rows_v, sem).wait()
            pltpu.sync_copy(rows_v, acc_sh.at[idst], add=True)
            return 0

        lax.fori_loop(0, n_chunks, body, 0)
        plsc.subcore_barrier()
        pltpu.sync_copy(
            acc_sh.at[pl.ds(s * n_per_tile, n_per_tile)],
            out_hbm.at[c].at[pl.ds(s * n_per_tile, n_per_tile)],
        )

    return k


def _matmul_call(x, w, deg_part, n_pad, rows):
    d_in = x.shape[1]
    d_out = w.shape[1]
    dh = d_out // 2
    nt = n_pad // rows

    def body(x_ref, w_ref, dp_ref, hs_ref):
        deg = 1.0 + dp_ref[0, :, 0] + dp_ref[1, :, 0]
        g = lax.rsqrt(deg)
        h = jnp.dot(x_ref[...], w_ref[...], preferred_element_type=jnp.float32)
        hs = h * g[:, None]
        hs_ref[0, :, :] = hs[:, :dh]
        hs_ref[1, :, :] = hs[:, dh:]

    return pl.pallas_call(
        body,
        grid=(nt,),
        in_specs=[
            pl.BlockSpec((rows, d_in), lambda i: (i, 0)),
            pl.BlockSpec((d_in, d_out), lambda i: (0, 0)),
            pl.BlockSpec((2, rows, L), lambda i: (0, i, 0)),
        ],
        out_specs=pl.BlockSpec((2, rows, dh), lambda i: (0, i, 0)),
        out_shape=jax.ShapeDtypeStruct((2, n_pad, dh), jnp.float32),
    )(x, w, deg_part)


def _combine_call(acc2, hs2, deg_part, b2, n, n_pad, rows):
    dh = acc2.shape[2]
    d_out = 2 * dh
    nt = n_pad // rows

    def body(acc_ref, hs_ref, dp_ref, b_ref, o_ref):
        deg = 1.0 + dp_ref[0, :, 0] + dp_ref[1, :, 0]
        g = lax.rsqrt(deg)
        lo = g[:, None] * (acc_ref[0] + hs_ref[0])
        hi = g[:, None] * (acc_ref[1] + hs_ref[1])
        o_ref[...] = jnp.concatenate([lo, hi], axis=1) + b_ref[...]

    return pl.pallas_call(
        body,
        grid=(nt,),
        in_specs=[
            pl.BlockSpec((2, rows, dh), lambda i: (0, i, 0)),
            pl.BlockSpec((2, rows, dh), lambda i: (0, i, 0)),
            pl.BlockSpec((2, rows, L), lambda i: (0, i, 0)),
            pl.BlockSpec((1, d_out), lambda i: (0, 0)),
        ],
        out_specs=pl.BlockSpec((rows, d_out), lambda i: (i, 0)),
        out_shape=jax.ShapeDtypeStruct((n, d_out), jnp.float32),
    )(acc2, hs2, deg_part, b2)


def kernel(x, edge_index, W, b):
    n, d_in = x.shape
    d_out = W.shape[1]
    e = edge_index.shape[1]
    dh = d_out // 2

    n_pad = -(-(n + 1) // 512) * 512
    rows = n_pad // 8

    src = edge_index[0].astype(jnp.int32)
    dst = edge_index[1].astype(jnp.int32)
    egrp = NC * NS * CHUNK
    e_pad = -(-e // egrp) * egrp
    if e_pad != e:
        fillv = jnp.full((e_pad - e,), n, jnp.int32)
        src = jnp.concatenate([src, fillv])
        dst = jnp.concatenate([dst, fillv])

    deg_part = _deg_kernel(n_pad, e_pad)(dst)
    hs2 = _matmul_call(x, W, deg_part, n_pad, rows)
    acc2 = _edge_kernel(n_pad, e_pad, dh)(src, dst, hs2)
    out = _combine_call(acc2, hs2, deg_part, b.reshape(1, -1), n, n_pad, rows)
    return out

# --- scband reference (transcript-rebuilt; emitter-appended) ---
"""Pipeline reference for scband-gnn-13400297964058 (READ-ONLY COPY).

The authoritative reference and input builder live on the scoring server;
editing this copy changes nothing except your own understanding.
"""

import jax, jax.numpy as jnp
import numpy as np

N_NODES = 10000
N_EDGES = 160000
D_IN = 256
D_OUT = 256

def setup_inputs(seed: int = 0) -> dict:
    key = jax.random.key(seed)
    k1, k2, k3, k4 = jax.random.split(key, 4)
    x = jax.random.normal(k1, (N_NODES, D_IN), dtype=jnp.float32)
    edge_index = jax.random.randint(k2, (2, N_EDGES), 0, N_NODES, dtype=jnp.int64)
    # GCNConv learned params: weight [D_IN, D_OUT] and bias [D_OUT]
    W = jax.random.normal(k3, (D_IN, D_OUT), dtype=jnp.float32) * (1.0 / np.sqrt(D_IN))
    b = jnp.zeros((D_OUT,), dtype=jnp.float32)
    return {"x": x, "edge_index": edge_index, "W": W, "b": b}

def reference(x, edge_index, W, b):
    # Faithful GCNConv (PyG semantics): add self-loops, symmetric normalization,
    # out = D^{-1/2} (A + I) D^{-1/2} X W + b
    N = x.shape[0]
    src = edge_index[0]
    dst = edge_index[1]
    loop = jnp.arange(N, dtype=src.dtype)
    src = jnp.concatenate([src, loop])
    dst = jnp.concatenate([dst, loop])
    h = x @ W
    ones = jnp.ones(dst.shape[0], dtype=h.dtype)
    deg = jax.ops.segment_sum(ones, dst, num_segments=N)
    deg_inv_sqrt = jnp.where(deg > 0, deg ** -0.5, 0.0)
    norm = deg_inv_sqrt[src] * deg_inv_sqrt[dst]
    msgs = h[src] * norm[:, None]
    out = jax.ops.segment_sum(msgs, dst, num_segments=N)
    return out + b

if __name__ == "__main__":
    import jax
    _d = setup_inputs()
    print(jax.jit(kernel)(*tuple(_d.values())))

</pallas_src>

<mosaic_0001>
#map = affine_map<(d0, d1) -> (0)>
#map1 = affine_map<(d0, d1) -> (0, 0, 0)>
module attributes {stable_mosaic.version = 14 : i64} {
  func.func @k(%arg0: i32, %arg1: i32, %arg2: memref<163840xi32, #tpu.memory_space<hbm>>, %arg3: memref<163840xi32, #tpu.memory_space<hbm>>, %arg4: memref<2x10240x128xf32, #tpu.memory_space<hbm>>, %arg5: memref<2x10240x128xf32, #tpu.memory_space<hbm>>, %arg6: memref<10240x128xf32, #tpu.memory_space<vmem_shared>>, %arg7: memref<128x128xf32, #tpu.memory_space<vmem>>, %arg8: memref<128x128xf32, #tpu.memory_space<vmem>>, %arg9: memref<128xi32, #tpu.memory_space<vmem>>, %arg10: memref<128xi32, #tpu.memory_space<vmem>>, %arg11: memref<!tpu.dma_semaphore, #tpu.memory_space<semaphore_mem>>) attributes {dimension_semantics = [#tpu.dimension_semantics<core_parallel>, #tpu.dimension_semantics<subcore_parallel>], iteration_bounds = array<i64: 2, 16>, scalar_prefetch = 0 : i64, scratch_operands = 6 : i64, tpu.core_type = #tpu.core_type<sc_vector_subcore>, window_params = [{transform_indices = #map}, {transform_indices = #map}, {transform_indices = #map1}, {transform_indices = #map1}]} {
    %scan3A = arith.constant 0 : i32
    %scan3A_0 = arith.constant 0 : i32
    %scan3A_1 = arith.constant 128 : i32
    %scan3A_2 = arith.addi %scan3A_0, %scan3A_1 : i32
    %scan3A_3 = arith.constant 1 : i32
    %scan3A_4 = scf.for %scan3A_38 = %scan3A_0 to %scan3A_2 step %scan3A_3 iter_args(%scan3A_39 = %scan3A) -> (i32)  : i32 {
      %broadcast_in_dim3A = arith.constant 0.000000e+00 : f32
      %broadcast_in_dim3A_40 = vector.broadcast %broadcast_in_dim3A : f32 to vector<16xf32>
      %swap3A = arith.index_cast %scan3A_38 : i32 to index
      %swap3A_41 = arith.constant 0 : index
      %swap3A_42 = tpu.vector_load %arg7[%swap3A, %swap3A_41] {strides = array<i32>} : memref<128x128xf32, #tpu.memory_space<vmem>>, vector<1x16xf32>,
      %swap3A_43 = vector.shape_cast %swap3A_42 : vector<1x16xf32> to vector<16xf32>
      %swap3A_44 = vector.shape_cast %broadcast_in_dim3A_40 : vector<16xf32> to vector<1x16xf32>
      tpu.vector_store %arg7[%swap3A, %swap3A_41], %swap3A_44 {strides = array<i32>} : memref<128x128xf32, #tpu.memory_space<vmem>>, vector<1x16xf32>,
      %broadcast_in_dim3A_45 = arith.constant 0.000000e+00 : f32
      %broadcast_in_dim3A_46 = vector.broadcast %broadcast_in_dim3A_45 : f32 to vector<16xf32>
      %swap3A_47 = arith.index_cast %scan3A_38 : i32 to index
      %swap3A_48 = arith.constant 16 : index
      %swap3A_49 = tpu.vector_load %arg7[%swap3A_47, %swap3A_48] {strides = array<i32>} : memref<128x128xf32, #tpu.memory_space<vmem>>, vector<1x16xf32>,
      %swap3A_50 = vector.shape_cast %swap3A_49 : vector<1x16xf32> to vector<16xf32>
      %swap3A_51 = vector.shape_cast %broadcast_in_dim3A_46 : vector<16xf32> to vector<1x16xf32>
      tpu.vector_store %arg7[%swap3A_47, %swap3A_48], %swap3A_51 {strides = array<i32>} : memref<128x128xf32, #tpu.memory_space<vmem>>, vector<1x16xf32>,
      %broadcast_in_dim3A_52 = arith.constant 0.000000e+00 : f32
      %broadcast_in_dim3A_53 = vector.broadcast %broadcast_in_dim3A_52 : f32 to vector<16xf32>
      %swap3A_54 = arith.index_cast %scan3A_38 : i32 to index
      %swap3A_55 = arith.constant 32 : index
      %swap3A_56 = tpu.vector_load %arg7[%swap3A_54, %swap3A_55] {strides = array<i32>} : memref<128x128xf32, #tpu.memory_space<vmem>>, vector<1x16xf32>,
      %swap3A_57 = vector.shape_cast %swap3A_56 : vector<1x16xf32> to vector<16xf32>
      %swap3A_58 = vector.shape_cast %broadcast_in_dim3A_53 : vector<16xf32> to vector<1x16xf32>
      tpu.vector_store %arg7[%swap3A_54, %swap3A_55], %swap3A_58 {strides = array<i32>} : memref<128x128xf32, #tpu.memory_space<vmem>>, vector<1x16xf32>,
      %broadcast_in_dim3A_59 = arith.constant 0.000000e+00 : f32
      %broadcast_in_dim3A_60 = vector.broadcast %broadcast_in_dim3A_59 : f32 to vector<16xf32>
      %swap3A_61 = arith.index_cast %scan3A_38 : i32 to index
      %swap3A_62 = arith.constant 48 : index
      %swap3A_63 = tpu.vector_load %arg7[%swap3A_61, %swap3A_62] {strides = array<i32>} : memref<128x128xf32, #tpu.memory_space<vmem>>, vector<1x16xf32>,
      %swap3A_64 = vector.shape_cast %swap3A_63 : vector<1x16xf32> to vector<16xf32>
      %swap3A_65 = vector.shape_cast %broadcast_in_dim3A_60 : vector<16xf32> to vector<1x16xf32>
      tpu.vector_store %arg7[%swap3A_61, %swap3A_62], %swap3A_65 {strides = array<i32>} : memref<128x128xf32, #tpu.memory_space<vmem>>, vector<1x16xf32>,
      %broadcast_in_dim3A_66 = arith.constant 0.000000e+00 : f32
      %broadcast_in_dim3A_67 = vector.broadcast %broadcast_in_dim3A_66 : f32 to vector<16xf32>
      %swap3A_68 = arith.index_cast %scan3A_38 : i32 to index
      %swap3A_69 = arith.constant 64 : index
      %swap3A_70 = tpu.vector_load %arg7[%swap3A_68, %swap3A_69] {strides = array<i32>} : memref<128x128xf32, #tpu.memory_space<vmem>>, vector<1x16xf32>,
      %swap3A_71 = vector.shape_cast %swap3A_70 : vector<1x16xf32> to vector<16xf32>
      %swap3A_72 = vector.shape_cast %broadcast_in_dim3A_67 : vector<16xf32> to vector<1x16xf32>
      tpu.vector_store %arg7[%swap3A_68, %swap3A_69], %swap3A_72 {strides = array<i32>} : memref<128x128xf32, #tpu.memory_space<vmem>>, vector<1x16xf32>,
      %broadcast_in_dim3A_73 = arith.constant 0.000000e+00 : f32
      %broadcast_in_dim3A_74 = vector.broadcast %broadcast_in_dim3A_73 : f32 to vector<16xf32>
      %swap3A_75 = arith.index_cast %scan3A_38 : i32 to index
      %swap3A_76 = arith.constant 80 : index
      %swap3A_77 = tpu.vector_load %arg7[%swap3A_75, %swap3A_76] {strides = array<i32>} : memref<128x128xf32, #tpu.memory_space<vmem>>, vector<1x16xf32>,
      %swap3A_78 = vector.shape_cast %swap3A_77 : vector<1x16xf32> to vector<16xf32>
      %swap3A_79 = vector.shape_cast %broadcast_in_dim3A_74 : vector<16xf32> to vector<1x16xf32>
      tpu.vector_store %arg7[%swap3A_75, %swap3A_76], %swap3A_79 {strides = array<i32>} : memref<128x128xf32, #tpu.memory_space<vmem>>, vector<1x16xf32>,
      %broadcast_in_dim3A_80 = arith.constant 0.000000e+00 : f32
      %broadcast_in_dim3A_81 = vector.broadcast %broadcast_in_dim3A_80 : f32 to vector<16xf32>
      %swap3A_82 = arith.index_cast %scan3A_38 : i32 to index
      %swap3A_83 = arith.constant 96 : index
      %swap3A_84 = tpu.vector_load %arg7[%swap3A_82, %swap3A_83] {strides = array<i32>} : memref<128x128xf32, #tpu.memory_space<vmem>>, vector<1x16xf32>,
      %swap3A_85 = vector.shape_cast %swap3A_84 : vector<1x16xf32> to vector<16xf32>
      %swap3A_86 = vector.shape_cast %broadcast_in_dim3A_81 : vector<16xf32> to vector<1x16xf32>
      tpu.vector_store %arg7[%swap3A_82, %swap3A_83], %swap3A_86 {strides = array<i32>} : memref<128x128xf32, #tpu.memory_space<vmem>>, vector<1x16xf32>,
      %broadcast_in_dim3A_87 = arith.constant 0.000000e+00 : f32
      %broadcast_in_dim3A_88 = vector.broadcast %broadcast_in_dim3A_87 : f32 to vector<16xf32>
      %swap3A_89 = arith.index_cast %scan3A_38 : i32 to index
      %swap3A_90 = arith.constant 112 : index
      %swap3A_91 = tpu.vector_load %arg7[%swap3A_89, %swap3A_90] {strides = array<i32>} : memref<128x128xf32, #tpu.memory_space<vmem>>, vector<1x16xf32>,
      %swap3A_92 = vector.shape_cast %swap3A_91 : vector<1x16xf32> to vector<16xf32>
      %swap3A_93 = vector.shape_cast %broadcast_in_dim3A_88 : vector<16xf32> to vector<1x16xf32>
      tpu.vector_store %arg7[%swap3A_89, %swap3A_90], %swap3A_93 {strides = array<i32>} : memref<128x128xf32, #tpu.memory_space<vmem>>, vector<1x16xf32>,
      %scan3A_94 = arith.constant 0 : i32
      scf.yield %scan3A_94 : i32
    }
    %scan3A_5 = arith.constant 128 : i32
    %mul3A = arith.constant 640 : i32
    %mul3A_6 = arith.muli %arg1, %mul3A : i32
    %add3A = arith.constant 0 : i32
    %add3A_7 = arith.addi %mul3A_6, %add3A : i32
    "tpu.region"() ({
      %run_scoped3A = tpu.sem_alloc : memref<!tpu.dma_semaphore, #tpu.memory_space<semaphore_mem>>
      %dma_start3A = arith.constant 0 : i32
      %dma_start3A_38 = tpu.memref_slice %arg6[%add3A_7, %dma_start3A] : memref<10240x128xf32, #tpu.memory_space<vmem_shared>> -> memref<128x128xf32, #tpu.memory_space<vmem_shared>>
      %dma_start3A_39 = arith.constant 0 : i32
      %dma_start3A_40 = tpu.memref_slice %arg6[%add3A_7, %dma_start3A_39] : memref<10240x128xf32, #tpu.memory_space<vmem_shared>> -> memref<128x128xf32, #tpu.memory_space<vmem_shared>>
      tpu.enqueue_dma source(%arg7 : memref<128x128xf32, #tpu.memory_space<vmem>>) target(%dma_start3A_40 : memref<128x128xf32, #tpu.memory_space<vmem_shared>>) target_semaphore(%run_scoped3A : memref<!tpu.dma_semaphore, #tpu.memory_space<semaphore_mem>>)
      %dma_wait3A = arith.constant 0 : i32
      %dma_wait3A_41 = tpu.memref_slice %arg6[%add3A_7, %dma_wait3A] : memref<10240x128xf32, #tpu.memory_space<vmem_shared>> -> memref<128x128xf32, #tpu.memory_space<vmem_shared>>
      %dma_wait3A_42 = arith.constant 0 : i32
      %dma_wait3A_43 = tpu.memref_slice %arg6[%add3A_7, %dma_wait3A_42] : memref<10240x128xf32, #tpu.memory_space<vmem_shared>> -> memref<128x128xf32, #tpu.memory_space<vmem_shared>>
      tpu.wait_dma2 semaphore(%run_scoped3A : memref<!tpu.dma_semaphore, #tpu.memory_space<semaphore_mem>>) src(%arg7 : memref<128x128xf32, #tpu.memory_space<vmem>>) dst(%dma_wait3A_43 : memref<128x128xf32, #tpu.memory_space<vmem_shared>>)
      tpu.yield
    }) : () -> ()
    %mul3A_8 = arith.constant 640 : i32
    %mul3A_9 = arith.muli %arg1, %mul3A_8 : i32
    %add3A_10 = arith.constant 128 : i32
    %add3A_11 = arith.addi %mul3A_9, %add3A_10 : i32
    "tpu.region"() ({
      %run_scoped3A = tpu.sem_alloc : memref<!tpu.dma_semaphore, #tpu.memory_space<semaphore_mem>>
      %dma_start3A = arith.constant 0 : i32
      %dma_start3A_38 = tpu.memref_slice %arg6[%add3A_11, %dma_start3A] : memref<10240x128xf32, #tpu.memory_space<vmem_shared>> -> memref<128x128xf32, #tpu.memory_space<vmem_shared>>
      %dma_start3A_39 = arith.constant 0 : i32
      %dma_start3A_40 = tpu.memref_slice %arg6[%add3A_11, %dma_start3A_39] : memref<10240x128xf32, #tpu.memory_space<vmem_shared>> -> memref<128x128xf32, #tpu.memory_space<vmem_shared>>
      tpu.enqueue_dma source(%arg7 : memref<128x128xf32, #tpu.memory_space<vmem>>) target(%dma_start3A_40 : memref<128x128xf32, #tpu.memory_space<vmem_shared>>) target_semaphore(%run_scoped3A : memref<!tpu.dma_semaphore, #tpu.memory_space<semaphore_mem>>)
      %dma_wait3A = arith.constant 0 : i32
      %dma_wait3A_41 = tpu.memref_slice %arg6[%add3A_11, %dma_wait3A] : memref<10240x128xf32, #tpu.memory_space<vmem_shared>> -> memref<128x128xf32, #tpu.memory_space<vmem_shared>>
      %dma_wait3A_42 = arith.constant 0 : i32
      %dma_wait3A_43 = tpu.memref_slice %arg6[%add3A_11, %dma_wait3A_42] : memref<10240x128xf32, #tpu.memory_space<vmem_shared>> -> memref<128x128xf32, #tpu.memory_space<vmem_shared>>
      tpu.wait_dma2 semaphore(%run_scoped3A : memref<!tpu.dma_semaphore, #tpu.memory_space<semaphore_mem>>) src(%arg7 : memref<128x128xf32, #tpu.memory_space<vmem>>) dst(%dma_wait3A_43 : memref<128x128xf32, #tpu.memory_space<vmem_shared>>)
      tpu.yield
    }) : () -> ()
    %mul3A_12 = arith.constant 640 : i32
    %mul3A_13 = arith.muli %arg1, %mul3A_12 : i32
    %add3A_14 = arith.constant 256 : i32
    %add3A_15 = arith.addi %mul3A_13, %add3A_14 : i32
    "tpu.region"() ({
      %run_scoped3A = tpu.sem_alloc : memref<!tpu.dma_semaphore, #tpu.memory_space<semaphore_mem>>
      %dma_start3A = arith.constant 0 : i32
      %dma_start3A_38 = tpu.memref_slice %arg6[%add3A_15, %dma_start3A] : memref<10240x128xf32, #tpu.memory_space<vmem_shared>> -> memref<128x128xf32, #tpu.memory_space<vmem_shared>>
      %dma_start3A_39 = arith.constant 0 : i32
      %dma_start3A_40 = tpu.memref_slice %arg6[%add3A_15, %dma_start3A_39] : memref<10240x128xf32, #tpu.memory_space<vmem_shared>> -> memref<128x128xf32, #tpu.memory_space<vmem_shared>>
      tpu.enqueue_dma source(%arg7 : memref<128x128xf32, #tpu.memory_space<vmem>>) target(%dma_start3A_40 : memref<128x128xf32, #tpu.memory_space<vmem_shared>>) target_semaphore(%run_scoped3A : memref<!tpu.dma_semaphore, #tpu.memory_space<semaphore_mem>>)
      %dma_wait3A = arith.constant 0 : i32
      %dma_wait3A_41 = tpu.memref_slice %arg6[%add3A_15, %dma_wait3A] : memref<10240x128xf32, #tpu.memory_space<vmem_shared>> -> memref<128x128xf32, #tpu.memory_space<vmem_shared>>
      %dma_wait3A_42 = arith.constant 0 : i32
      %dma_wait3A_43 = tpu.memref_slice %arg6[%add3A_15, %dma_wait3A_42] : memref<10240x128xf32, #tpu.memory_space<vmem_shared>> -> memref<128x128xf32, #tpu.memory_space<vmem_shared>>
      tpu.wait_dma2 semaphore(%run_scoped3A : memref<!tpu.dma_semaphore, #tpu.memory_space<semaphore_mem>>) src(%arg7 : memref<128x128xf32, #tpu.memory_space<vmem>>) dst(%dma_wait3A_43 : memref<128x128xf32, #tpu.memory_space<vmem_shared>>)
      tpu.yield
    }) : () -> ()
    %mul3A_16 = arith.constant 640 : i32
    %mul3A_17 = arith.muli %arg1, %mul3A_16 : i32
    %add3A_18 = arith.constant 384 : i32
    %add3A_19 = arith.addi %mul3A_17, %add3A_18 : i32
    "tpu.region"() ({
      %run_scoped3A = tpu.sem_alloc : memref<!tpu.dma_semaphore, #tpu.memory_space<semaphore_mem>>
      %dma_start3A = arith.constant 0 : i32
      %dma_start3A_38 = tpu.memref_slice %arg6[%add3A_19, %dma_start3A] : memref<10240x128xf32, #tpu.memory_space<vmem_shared>> -> memref<128x128xf32, #tpu.memory_space<vmem_shared>>
      %dma_start3A_39 = arith.constant 0 : i32
      %dma_start3A_40 = tpu.memref_slice %arg6[%add3A_19, %dma_start3A_39] : memref<10240x128xf32, #tpu.memory_space<vmem_shared>> -> memref<128x128xf32, #tpu.memory_space<vmem_shared>>
      tpu.enqueue_dma source(%arg7 : memref<128x128xf32, #tpu.memory_space<vmem>>) target(%dma_start3A_40 : memref<128x128xf32, #tpu.memory_space<vmem_shared>>) target_semaphore(%run_scoped3A : memref<!tpu.dma_semaphore, #tpu.memory_space<semaphore_mem>>)
      %dma_wait3A = arith.constant 0 : i32
      %dma_wait3A_41 = tpu.memref_slice %arg6[%add3A_19, %dma_wait3A] : memref<10240x128xf32, #tpu.memory_space<vmem_shared>> -> memref<128x128xf32, #tpu.memory_space<vmem_shared>>
      %dma_wait3A_42 = arith.constant 0 : i32
      %dma_wait3A_43 = tpu.memref_slice %arg6[%add3A_19, %dma_wait3A_42] : memref<10240x128xf32, #tpu.memory_space<vmem_shared>> -> memref<128x128xf32, #tpu.memory_space<vmem_shared>>
      tpu.wait_dma2 semaphore(%run_scoped3A : memref<!tpu.dma_semaphore, #tpu.memory_space<semaphore_mem>>) src(%arg7 : memref<128x128xf32, #tpu.memory_space<vmem>>) dst(%dma_wait3A_43 : memref<128x128xf32, #tpu.memory_space<vmem_shared>>)
      tpu.yield
    }) : () -> ()
    %mul3A_20 = arith.constant 640 : i32
    %mul3A_21 = arith.muli %arg1, %mul3A_20 : i32
    %add3A_22 = arith.constant 512 : i32
    %add3A_23 = arith.addi %mul3A_21, %add3A_22 : i32
    "tpu.region"() ({
      %run_scoped3A = tpu.sem_alloc : memref<!tpu.dma_semaphore, #tpu.memory_space<semaphore_mem>>
      %dma_start3A = arith.constant 0 : i32
      %dma_start3A_38 = tpu.memref_slice %arg6[%add3A_23, %dma_start3A] : memref<10240x128xf32, #tpu.memory_space<vmem_shared>> -> memref<128x128xf32, #tpu.memory_space<vmem_shared>>
      %dma_start3A_39 = arith.constant 0 : i32
      %dma_start3A_40 = tpu.memref_slice %arg6[%add3A_23, %dma_start3A_39] : memref<10240x128xf32, #tpu.memory_space<vmem_shared>> -> memref<128x128xf32, #tpu.memory_space<vmem_shared>>
      tpu.enqueue_dma source(%arg7 : memref<128x128xf32, #tpu.memory_space<vmem>>) target(%dma_start3A_40 : memref<128x128xf32, #tpu.memory_space<vmem_shared>>) target_semaphore(%run_scoped3A : memref<!tpu.dma_semaphore, #tpu.memory_space<semaphore_mem>>)
      %dma_wait3A = arith.constant 0 : i32
      %dma_wait3A_41 = tpu.memref_slice %arg6[%add3A_23, %dma_wait3A] : memref<10240x128xf32, #tpu.memory_space<vmem_shared>> -> memref<128x128xf32, #tpu.memory_space<vmem_shared>>
      %dma_wait3A_42 = arith.constant 0 : i32
      %dma_wait3A_43 = tpu.memref_slice %arg6[%add3A_23, %dma_wait3A_42] : memref<10240x128xf32, #tpu.memory_space<vmem_shared>> -> memref<128x128xf32, #tpu.memory_space<vmem_shared>>
      tpu.wait_dma2 semaphore(%run_scoped3A : memref<!tpu.dma_semaphore, #tpu.memory_space<semaphore_mem>>) src(%arg7 : memref<128x128xf32, #tpu.memory_space<vmem>>) dst(%dma_wait3A_43 : memref<128x128xf32, #tpu.memory_space<vmem_shared>>)
      tpu.yield
    }) : () -> ()
    %barrier3A = arith.constant 0 : index
    tpu.barrier barrier_id(%barrier3A)
    %mul3A_24 = arith.constant 10240 : i32
    %mul3A_25 = arith.muli %arg1, %mul3A_24 : i32
    %scan3A_26 = arith.constant 0 : i32
    %scan3A_27 = arith.constant 0 : i32
    %scan3A_28 = arith.constant 80 : i32
    %scan3A_29 = arith.addi %scan3A_27, %scan3A_28 : i32
    %scan3A_30 = arith.constant 1 : i32
    %scan3A_31 = scf.for %scan3A_38 = %scan3A_27 to %scan3A_29 step %scan3A_30 iter_args(%scan3A_39 = %scan3A_26) -> (i32)  : i32 {
      %mul3A_40 = arith.constant 128 : i32
      %mul3A_41 = arith.muli %scan3A_38, %mul3A_40 : i32
      %add3A_42 = arith.addi %mul3A_25, %mul3A_41 : i32
      "tpu.region"() ({
        %run_scoped3A = tpu.sem_alloc : memref<!tpu.dma_semaphore, #tpu.memory_space<semaphore_mem>>
        %dma_start3A_56 = tpu.memref_slice %arg2[%add3A_42] : memref<163840xi32, #tpu.memory_space<hbm>> -> memref<128xi32, #tpu.memory_space<hbm>>
        %dma_start3A_57 = tpu.memref_slice %arg2[%add3A_42] : memref<163840xi32, #tpu.memory_space<hbm>> -> memref<128xi32, #tpu.memory_space<hbm>>
        tpu.enqueue_dma source(%dma_start3A_57 : memref<128xi32, #tpu.memory_space<hbm>>) target(%arg9 : memref<128xi32, #tpu.memory_space<vmem>>) target_semaphore(%run_scoped3A : memref<!tpu.dma_semaphore, #tpu.memory_space<semaphore_mem>>)
        %dma_wait3A_58 = tpu.memref_slice %arg2[%add3A_42] : memref<163840xi32, #tpu.memory_space<hbm>> -> memref<128xi32, #tpu.memory_space<hbm>>
        %dma_wait3A_59 = tpu.memref_slice %arg2[%add3A_42] : memref<163840xi32, #tpu.memory_space<hbm>> -> memref<128xi32, #tpu.memory_space<hbm>>
        tpu.wait_dma2 semaphore(%run_scoped3A : memref<!tpu.dma_semaphore, #tpu.memory_space<semaphore_mem>>) src(%dma_wait3A_59 : memref<128xi32, #tpu.memory_space<hbm>>) dst(%arg9 : memref<128xi32, #tpu.memory_space<vmem>>)
        tpu.yield
      }) : () -> ()
      "tpu.region"() ({
        %run_scoped3A = tpu.sem_alloc : memref<!tpu.dma_semaphore, #tpu.memory_space<semaphore_mem>>
        %dma_start3A_56 = tpu.memref_slice %arg3[%add3A_42] : memref<163840xi32, #tpu.memory_space<hbm>> -> memref<128xi32, #tpu.memory_space<hbm>>
        %dma_start3A_57 = tpu.memref_slice %arg3[%add3A_42] : memref<163840xi32, #tpu.memory_space<hbm>> -> memref<128xi32, #tpu.memory_space<hbm>>
        tpu.enqueue_dma source(%dma_start3A_57 : memref<128xi32, #tpu.memory_space<hbm>>) target(%arg10 : memref<128xi32, #tpu.memory_space<vmem>>) target_semaphore(%run_scoped3A : memref<!tpu.dma_semaphore, #tpu.memory_space<semaphore_mem>>)
        %dma_wait3A_58 = tpu.memref_slice %arg3[%add3A_42] : memref<163840xi32, #tpu.memory_space<hbm>> -> memref<128xi32, #tpu.memory_space<hbm>>
        %dma_wait3A_59 = tpu.memref_slice %arg3[%add3A_42] : memref<163840xi32, #tpu.memory_space<hbm>> -> memref<128xi32, #tpu.memory_space<hbm>>
        tpu.wait_dma2 semaphore(%run_scoped3A : memref<!tpu.dma_semaphore, #tpu.memory_space<semaphore_mem>>) src(%dma_wait3A_59 : memref<128xi32, #tpu.memory_space<hbm>>) dst(%arg10 : memref<128xi32, #tpu.memory_space<vmem>>)
        tpu.yield
      }) : () -> ()
      %dma_start3A = arith.constant 0 : i32
      %dma_start3A_43 = arith.constant 0 : i32
      %dma_start3A_44 = tpu.memref_slice %arg4[%arg0, %dma_start3A, %dma_start3A_43] : memref<2x10240x128xf32, #tpu.memory_space<hbm>> -> memref<1x10240x128xf32, #tpu.memory_space<hbm>>
      %dma_start3A_45 = tpu.memref_squeeze %dma_start3A_44 : memref<1x10240x128xf32, #tpu.memory_space<hbm>> -> memref<10240x128xf32, #tpu.memory_space<hbm>>
      %dma_start3A_46 = arith.constant 0 : i32
      %dma_start3A_47 = arith.constant 0 : i32
      %dma_start3A_48 = tpu.memref_slice %dma_start3A_45[%dma_start3A_46, %dma_start3A_47] : memref<10240x128xf32, #tpu.memory_space<hbm>> -> memref<10240x128xf32, #tpu.memory_space<hbm>>
      tpu.enqueue_indirect_dma source(%dma_start3A_48 : memref<10240x128xf32, #tpu.memory_space<hbm>>) target(%arg8 : memref<128x128xf32, #tpu.memory_space<vmem>>) offsets(%arg9 : memref<128xi32, #tpu.memory_space<vmem>>) semaphore(%arg11 : memref<!tpu.dma_semaphore, #tpu.memory_space<semaphore_mem>>)
      %dma_wait3A = arith.constant 0 : i32
      %dma_wait3A_49 = arith.constant 0 : i32
      %dma_wait3A_50 = tpu.memref_slice %arg4[%arg0, %dma_wait3A, %dma_wait3A_49] : memref<2x10240x128xf32, #tpu.memory_space<hbm>> -> memref<1x10240x128xf32, #tpu.memory_space<hbm>>
      %dma_wait3A_51 = tpu.memref_squeeze %dma_wait3A_50 : memref<1x10240x128xf32, #tpu.memory_space<hbm>> -> memref<10240x128xf32, #tpu.memory_space<hbm>>
      %dma_wait3A_52 = arith.constant 0 : i32
      %dma_wait3A_53 = arith.constant 0 : i32
      %dma_wait3A_54 = tpu.memref_slice %dma_wait3A_51[%dma_wait3A_52, %dma_wait3A_53] : memref<10240x128xf32, #tpu.memory_space<hbm>> -> memref<10240x128xf32, #tpu.memory_space<hbm>>
      tpu.wait_indirect_dma semaphore(%arg11 : memref<!tpu.dma_semaphore, #tpu.memory_space<semaphore_mem>>) src(%dma_wait3A_54 : memref<10240x128xf32, #tpu.memory_space<hbm>>) dst(%arg8 : memref<128x128xf32, #tpu.memory_space<vmem>>)
      "tpu.region"() ({
        %run_scoped3A = tpu.sem_alloc : memref<!tpu.dma_semaphore, #tpu.memory_space<semaphore_mem>>
        %dma_start3A_56 = arith.constant 0 : i32
        %dma_start3A_57 = arith.constant 0 : i32
        %dma_start3A_58 = tpu.memref_slice %arg6[%dma_start3A_56, %dma_start3A_57] : memref<10240x128xf32, #tpu.memory_space<vmem_shared>> -> memref<10240x128xf32, #tpu.memory_space<vmem_shared>>
        tpu.enqueue_indirect_dma source(%arg8 : memref<128x128xf32, #tpu.memory_space<vmem>>) target(%dma_start3A_58 : memref<10240x128xf32, #tpu.memory_space<vmem_shared>>) offsets(%arg10 : memref<128xi32, #tpu.memory_space<vmem>>) semaphore(%run_scoped3A : memref<!tpu.dma_semaphore, #tpu.memory_space<semaphore_mem>>) {add = true}
        %dma_wait3A_59 = arith.constant 0 : i32
        %dma_wait3A_60 = arith.constant 0 : i32
        %dma_wait3A_61 = tpu.memref_slice %arg6[%dma_wait3A_59, %dma_wait3A_60] : memref<10240x128xf32, #tpu.memory_space<vmem_shared>> -> memref<10240x128xf32, #tpu.memory_space<vmem_shared>>
        tpu.wait_indirect_dma semaphore(%run_scoped3A : memref<!tpu.dma_semaphore, #tpu.memory_space<semaphore_mem>>) src(%arg8 : memref<128x128xf32, #tpu.memory_space<vmem>>) dst(%dma_wait3A_61 : memref<10240x128xf32, #tpu.memory_space<vmem_shared>>)
        tpu.yield
      }) : () -> ()
      %scan3A_55 = arith.constant 0 : i32
      scf.yield %scan3A_55 : i32
    }
    %scan3A_32 = arith.constant 80 : i32
    %barrier3A_33 = arith.constant 0 : index
    tpu.barrier barrier_id(%barrier3A_33)
    %mul3A_34 = arith.constant 640 : i32
    %mul3A_35 = arith.muli %arg1, %mul3A_34 : i32
    %mul3A_36 = arith.constant 640 : i32
    %mul3A_37 = arith.muli %arg1, %mul3A_36 : i32
    "tpu.region"() ({
      %run_scoped3A = tpu.sem_alloc : memref<!tpu.dma_semaphore, #tpu.memory_space<semaphore_mem>>
      %dma_start3A = arith.constant 0 : i32
      %dma_start3A_38 = arith.constant 0 : i32
      %dma_start3A_39 = tpu.memref_slice %arg5[%arg0, %dma_start3A, %dma_start3A_38] : memref<2x10240x128xf32, #tpu.memory_space<hbm>> -> memref<1x10240x128xf32, #tpu.memory_space<hbm>>
      %dma_start3A_40 = tpu.memref_squeeze %dma_start3A_39 : memref<1x10240x128xf32, #tpu.memory_space<hbm>> -> memref<10240x128xf32, #tpu.memory_space<hbm>>
      %dma_start3A_41 = arith.constant 0 : i32
      %dma_start3A_42 = tpu.memref_slice %dma_start3A_40[%mul3A_37, %dma_start3A_41] : memref<10240x128xf32, #tpu.memory_space<hbm>> -> memref<640x128xf32, #tpu.memory_space<hbm>>
      %dma_start3A_43 = arith.constant 0 : i32
      %dma_start3A_44 = tpu.memref_slice %arg6[%mul3A_35, %dma_start3A_43] : memref<10240x128xf32, #tpu.memory_space<vmem_shared>> -> memref<640x128xf32, #tpu.memory_space<vmem_shared>>
      tpu.enqueue_dma source(%dma_start3A_44 : memref<640x128xf32, #tpu.memory_space<vmem_shared>>) target(%dma_start3A_42 : memref<640x128xf32, #tpu.memory_space<hbm>>) target_semaphore(%run_scoped3A : memref<!tpu.dma_semaphore, #tpu.memory_space<semaphore_mem>>)
      %dma_wait3A = arith.constant 0 : i32
      %dma_wait3A_45 = arith.constant 0 : i32
      %dma_wait3A_46 = tpu.memref_slice %arg5[%arg0, %dma_wait3A, %dma_wait3A_45] : memref<2x10240x128xf32, #tpu.memory_space<hbm>> -> memref<1x10240x128xf32, #tpu.memory_space<hbm>>
      %dma_wait3A_47 = tpu.memref_squeeze %dma_wait3A_46 : memref<1x10240x128xf32, #tpu.memory_space<hbm>> -> memref<10240x128xf32, #tpu.memory_space<hbm>>
      %dma_wait3A_48 = arith.constant 0 : i32
      %dma_wait3A_49 = tpu.memref_slice %dma_wait3A_47[%mul3A_37, %dma_wait3A_48] : memref<10240x128xf32, #tpu.memory_space<hbm>> -> memref<640x128xf32, #tpu.memory_space<hbm>>
      %dma_wait3A_50 = arith.constant 0 : i32
      %dma_wait3A_51 = tpu.memref_slice %arg6[%mul3A_35, %dma_wait3A_50] : memref<10240x128xf32, #tpu.memory_space<vmem_shared>> -> memref<640x128xf32, #tpu.memory_space<vmem_shared>>
      tpu.wait_dma2 semaphore(%run_scoped3A : memref<!tpu.dma_semaphore, #tpu.memory_space<semaphore_mem>>) src(%dma_wait3A_51 : memref<640x128xf32, #tpu.memory_space<vmem_shared>>) dst(%dma_wait3A_49 : memref<640x128xf32, #tpu.memory_space<hbm>>)
      tpu.yield
    }) : () -> ()
    return
  }
}

#map = affine_map<(d0, d1) -> (0)>
#map1 = affine_map<(d0, d1) -> (0, 0, 0)>
module attributes {stable_mosaic.version = 14 : i64} {
  func.func @k(%arg0: i32, %arg1: i32, %arg2: memref<163840xi32, #tpu.memory_space<hbm>>, %arg3: memref<2x10240x16xf32, #tpu.memory_space<hbm>>, %arg4: memref<10240x16xf32, #tpu.memory_space<vmem_shared>>, %arg5: memref<640x16xf32, #tpu.memory_space<vmem>>, %arg6: memref<128x16xf32, #tpu.memory_space<vmem>>, %arg7: memref<128xi32, #tpu.memory_space<vmem>>) attributes {dimension_semantics = [#tpu.dimension_semantics<core_parallel>, #tpu.dimension_semantics<subcore_parallel>], iteration_bounds = array<i64: 2, 16>, scalar_prefetch = 0 : i64, scratch_operands = 4 : i64, tpu.core_type = #tpu.core_type<sc_vector_subcore>, window_params = [{transform_indices = #map}, {transform_indices = #map1}]} {
    %mul3A = arith.constant 16 : i32
    %mul3A_0 = arith.muli %arg0, %mul3A : i32
    %add3A = arith.addi %mul3A_0, %arg1 : i32
    %scan3A = arith.constant 0 : i32
    %scan3A_1 = arith.constant 0 : i32
    %scan3A_2 = arith.constant 640 : i32
    %scan3A_3 = arith.addi %scan3A_1, %scan3A_2 : i32
    %scan3A_4 = arith.constant 1 : i32
    %scan3A_5 = scf.for %scan3A_30 = %scan3A_1 to %scan3A_3 step %scan3A_4 iter_args(%scan3A_31 = %scan3A) -> (i32)  : i32 {
      %broadcast_in_dim3A = arith.constant 0.000000e+00 : f32
      %broadcast_in_dim3A_32 = vector.broadcast %broadcast_in_dim3A : f32 to vector<16xf32>
      %swap3A = arith.index_cast %scan3A_30 : i32 to index
      %swap3A_33 = arith.constant 0 : index
      %swap3A_34 = tpu.vector_load %arg5[%swap3A, %swap3A_33] {strides = array<i32>} : memref<640x16xf32, #tpu.memory_space<vmem>>, vector<1x16xf32>,
      %swap3A_35 = vector.shape_cast %swap3A_34 : vector<1x16xf32> to vector<16xf32>
      %swap3A_36 = vector.shape_cast %broadcast_in_dim3A_32 : vector<16xf32> to vector<1x16xf32>
      tpu.vector_store %arg5[%swap3A, %swap3A_33], %swap3A_36 {strides = array<i32>} : memref<640x16xf32, #tpu.memory_space<vmem>>, vector<1x16xf32>,
      %scan3A_37 = arith.constant 0 : i32
      scf.yield %scan3A_37 : i32
    }
    %scan3A_6 = arith.constant 640 : i32
    %scan3A_7 = arith.constant 0 : i32
    %scan3A_8 = arith.constant 0 : i32
    %scan3A_9 = arith.constant 128 : i32
    %scan3A_10 = arith.addi %scan3A_8, %scan3A_9 : i32
    %scan3A_11 = arith.constant 1 : i32
    %scan3A_12 = scf.for %scan3A_30 = %scan3A_8 to %scan3A_10 step %scan3A_11 iter_args(%scan3A_31 = %scan3A_7) -> (i32)  : i32 {
      %broadcast_in_dim3A = arith.constant 1.000000e+00 : f32
      %broadcast_in_dim3A_32 = vector.broadcast %broadcast_in_dim3A : f32 to vector<16xf32>
      %swap3A = arith.index_cast %scan3A_30 : i32 to index
      %swap3A_33 = arith.constant 0 : index
      %swap3A_34 = tpu.vector_load %arg6[%swap3A, %swap3A_33] {strides = array<i32>} : memref<128x16xf32, #tpu.memory_space<vmem>>, vector<1x16xf32>,
      %swap3A_35 = vector.shape_cast %swap3A_34 : vector<1x16xf32> to vector<16xf32>
      %swap3A_36 = vector.shape_cast %broadcast_in_dim3A_32 : vector<16xf32> to vector<1x16xf32>
      tpu.vector_store %arg6[%swap3A, %swap3A_33], %swap3A_36 {strides = array<i32>} : memref<128x16xf32, #tpu.memory_space<vmem>>, vector<1x16xf32>,
      %scan3A_37 = arith.constant 0 : i32
      scf.yield %scan3A_37 : i32
    }
    %scan3A_13 = arith.constant 128 : i32
    %mul3A_14 = arith.constant 640 : i32
    %mul3A_15 = arith.muli %arg1, %mul3A_14 : i32
    "tpu.region"() ({
      %run_scoped3A = tpu.sem_alloc : memref<!tpu.dma_semaphore, #tpu.memory_space<semaphore_mem>>
      %dma_start3A = arith.constant 0 : i32
      %dma_start3A_30 = tpu.memref_slice %arg4[%mul3A_15, %dma_start3A] : memref<10240x16xf32, #tpu.memory_space<vmem_shared>> -> memref<640x16xf32, #tpu.memory_space<vmem_shared>>
      %dma_start3A_31 = arith.constant 0 : i32
      %dma_start3A_32 = tpu.memref_slice %arg4[%mul3A_15, %dma_start3A_31] : memref<10240x16xf32, #tpu.memory_space<vmem_shared>> -> memref<640x16xf32, #tpu.memory_space<vmem_shared>>
      tpu.enqueue_dma source(%arg5 : memref<640x16xf32, #tpu.memory_space<vmem>>) target(%dma_start3A_32 : memref<640x16xf32, #tpu.memory_space<vmem_shared>>) target_semaphore(%run_scoped3A : memref<!tpu.dma_semaphore, #tpu.memory_space<semaphore_mem>>)
      %dma_wait3A = arith.constant 0 : i32
      %dma_wait3A_33 = tpu.memref_slice %arg4[%mul3A_15, %dma_wait3A] : memref<10240x16xf32, #tpu.memory_space<vmem_shared>> -> memref<640x16xf32, #tpu.memory_space<vmem_shared>>
      %dma_wait3A_34 = arith.constant 0 : i32
      %dma_wait3A_35 = tpu.memref_slice %arg4[%mul3A_15, %dma_wait3A_34] : memref<10240x16xf32, #tpu.memory_space<vmem_shared>> -> memref<640x16xf32, #tpu.memory_space<vmem_shared>>
      tpu.wait_dma2 semaphore(%run_scoped3A : memref<!tpu.dma_semaphore, #tpu.memory_space<semaphore_mem>>) src(%arg5 : memref<640x16xf32, #tpu.memory_space<vmem>>) dst(%dma_wait3A_35 : memref<640x16xf32, #tpu.memory_space<vmem_shared>>)
      tpu.yield
    }) : () -> ()
    %barrier3A = arith.constant 0 : index
    tpu.barrier barrier_id(%barrier3A)
    %mul3A_16 = arith.constant 5120 : i32
    %mul3A_17 = arith.muli %add3A, %mul3A_16 : i32
    %scan3A_18 = arith.constant 0 : i32
    %scan3A_19 = arith.constant 0 : i32
    %scan3A_20 = arith.constant 40 : i32
    %scan3A_21 = arith.addi %scan3A_19, %scan3A_20 : i32
    %scan3A_22 = arith.constant 1 : i32
    %scan3A_23 = scf.for %scan3A_30 = %scan3A_19 to %scan3A_21 step %scan3A_22 iter_args(%scan3A_31 = %scan3A_18) -> (i32)  : i32 {
      %mul3A_32 = arith.constant 128 : i32
      %mul3A_33 = arith.muli %scan3A_30, %mul3A_32 : i32
      %add3A_34 = arith.addi %mul3A_17, %mul3A_33 : i32
      "tpu.region"() ({
        %run_scoped3A = tpu.sem_alloc : memref<!tpu.dma_semaphore, #tpu.memory_space<semaphore_mem>>
        %dma_start3A = tpu.memref_slice %arg2[%add3A_34] : memref<163840xi32, #tpu.memory_space<hbm>> -> memref<128xi32, #tpu.memory_space<hbm>>
        %dma_start3A_36 = tpu.memref_slice %arg2[%add3A_34] : memref<163840xi32, #tpu.memory_space<hbm>> -> memref<128xi32, #tpu.memory_space<hbm>>
        tpu.enqueue_dma source(%dma_start3A_36 : memref<128xi32, #tpu.memory_space<hbm>>) target(%arg7 : memref<128xi32, #tpu.memory_space<vmem>>) target_semaphore(%run_scoped3A : memref<!tpu.dma_semaphore, #tpu.memory_space<semaphore_mem>>)
        %dma_wait3A = tpu.memref_slice %arg2[%add3A_34] : memref<163840xi32, #tpu.memory_space<hbm>> -> memref<128xi32, #tpu.memory_space<hbm>>
        %dma_wait3A_37 = tpu.memref_slice %arg2[%add3A_34] : memref<163840xi32, #tpu.memory_space<hbm>> -> memref<128xi32, #tpu.memory_space<hbm>>
        tpu.wait_dma2 semaphore(%run_scoped3A : memref<!tpu.dma_semaphore, #tpu.memory_space<semaphore_mem>>) src(%dma_wait3A_37 : memref<128xi32, #tpu.memory_space<hbm>>) dst(%arg7 : memref<128xi32, #tpu.memory_space<vmem>>)
        tpu.yield
      }) : () -> ()
      "tpu.region"() ({
        %run_scoped3A = tpu.sem_alloc : memref<!tpu.dma_semaphore, #tpu.memory_space<semaphore_mem>>
        %dma_start3A = arith.constant 0 : i32
        %dma_start3A_36 = arith.constant 0 : i32
        %dma_start3A_37 = tpu.memref_slice %arg4[%dma_start3A, %dma_start3A_36] : memref<10240x16xf32, #tpu.memory_space<vmem_shared>> -> memref<10240x16xf32, #tpu.memory_space<vmem_shared>>
        tpu.enqueue_indirect_dma source(%arg6 : memref<128x16xf32, #tpu.memory_space<vmem>>) target(%dma_start3A_37 : memref<10240x16xf32, #tpu.memory_space<vmem_shared>>) offsets(%arg7 : memref<128xi32, #tpu.memory_space<vmem>>) semaphore(%run_scoped3A : memref<!tpu.dma_semaphore, #tpu.memory_space<semaphore_mem>>) {add = true}
        %dma_wait3A = arith.constant 0 : i32
        %dma_wait3A_38 = arith.constant 0 : i32
        %dma_wait3A_39 = tpu.memref_slice %arg4[%dma_wait3A, %dma_wait3A_38] : memref<10240x16xf32, #tpu.memory_space<vmem_shared>> -> memref<10240x16xf32, #tpu.memory_space<vmem_shared>>
        tpu.wait_indirect_dma semaphore(%run_scoped3A : memref<!tpu.dma_semaphore, #tpu.memory_space<semaphore_mem>>) src(%arg6 : memref<128x16xf32, #tpu.memory_space<vmem>>) dst(%dma_wait3A_39 : memref<10240x16xf32, #tpu.memory_space<vmem_shared>>)
        tpu.yield
      }) : () -> ()
      %scan3A_35 = arith.constant 0 : i32
      scf.yield %scan3A_35 : i32
    }
    %scan3A_24 = arith.constant 40 : i32
    %barrier3A_25 = arith.constant 0 : index
    tpu.barrier barrier_id(%barrier3A_25)
    %mul3A_26 = arith.constant 640 : i32
    %mul3A_27 = arith.muli %arg1, %mul3A_26 : i32
    %mul3A_28 = arith.constant 640 : i32
    %mul3A_29 = arith.muli %arg1, %mul3A_28 : i32
    "tpu.region"() ({
      %run_scoped3A = tpu.sem_alloc : memref<!tpu.dma_semaphore, #tpu.memory_space<semaphore_mem>>
      %dma_start3A = arith.constant 0 : i32
      %dma_start3A_30 = arith.constant 0 : i32
      %dma_start3A_31 = tpu.memref_slice %arg3[%arg0, %dma_start3A, %dma_start3A_30] : memref<2x10240x16xf32, #tpu.memory_space<hbm>> -> memref<1x10240x16xf32, #tpu.memory_space<hbm>>
      %dma_start3A_32 = tpu.memref_squeeze %dma_start3A_31 : memref<1x10240x16xf32, #tpu.memory_space<hbm>> -> memref<10240x16xf32, #tpu.memory_space<hbm>>
      %dma_start3A_33 = arith.constant 0 : i32
      %dma_start3A_34 = tpu.memref_slice %dma_start3A_32[%mul3A_29, %dma_start3A_33] : memref<10240x16xf32, #tpu.memory_space<hbm>> -> memref<640x16xf32, #tpu.memory_space<hbm>>
      %dma_start3A_35 = arith.constant 0 : i32
      %dma_start3A_36 = tpu.memref_slice %arg4[%mul3A_27, %dma_start3A_35] : memref<10240x16xf32, #tpu.memory_space<vmem_shared>> -> memref<640x16xf32, #tpu.memory_space<vmem_shared>>
      tpu.enqueue_dma source(%dma_start3A_36 : memref<640x16xf32, #tpu.memory_space<vmem_shared>>) target(%dma_start3A_34 : memref<640x16xf32, #tpu.memory_space<hbm>>) target_semaphore(%run_scoped3A : memref<!tpu.dma_semaphore, #tpu.memory_space<semaphore_mem>>)
      %dma_wait3A = arith.constant 0 : i32
      %dma_wait3A_37 = arith.constant 0 : i32
      %dma_wait3A_38 = tpu.memref_slice %arg3[%arg0, %dma_wait3A, %dma_wait3A_37] : memref<2x10240x16xf32, #tpu.memory_space<hbm>> -> memref<1x10240x16xf32, #tpu.memory_space<hbm>>
      %dma_wait3A_39 = tpu.memref_squeeze %dma_wait3A_38 : memref<1x10240x16xf32, #tpu.memory_space<hbm>> -> memref<10240x16xf32, #tpu.memory_space<hbm>>
      %dma_wait3A_40 = arith.constant 0 : i32
      %dma_wait3A_41 = tpu.memref_slice %dma_wait3A_39[%mul3A_29, %dma_wait3A_40] : memref<10240x16xf32, #tpu.memory_space<hbm>> -> memref<640x16xf32, #tpu.memory_space<hbm>>
      %dma_wait3A_42 = arith.constant 0 : i32
      %dma_wait3A_43 = tpu.memref_slice %arg4[%mul3A_27, %dma_wait3A_42] : memref<10240x16xf32, #tpu.memory_space<vmem_shared>> -> memref<640x16xf32, #tpu.memory_space<vmem_shared>>
      tpu.wait_dma2 semaphore(%run_scoped3A : memref<!tpu.dma_semaphore, #tpu.memory_space<semaphore_mem>>) src(%dma_wait3A_43 : memref<640x16xf32, #tpu.memory_space<vmem_shared>>) dst(%dma_wait3A_41 : memref<640x16xf32, #tpu.memory_space<hbm>>)
      tpu.yield
    }) : () -> ()
    return
  }
}

module attributes {stable_mosaic.version = 14 : i64} {
  func.func @body(%arg0: i32, %arg1: memref<1280x256xf32, #tpu.memory_space<vmem>>, %arg2: memref<256x256xf32, #tpu.memory_space<vmem>>, %arg3: memref<2x1280x16xf32, #tpu.memory_space<vmem>>, %arg4: memref<2x1280x128xf32, #tpu.memory_space<vmem>>) attributes {dimension_semantics = [#tpu.dimension_semantics<arbitrary>], iteration_bounds = array<i64: 8>, scalar_prefetch = 0 : i64, scratch_operands = 0 : i64, tpu.core_type = #tpu.core_type<tc>, window_params = [{transform_indices = @transform_0, window_bounds = array<i64: 1280, 256>}, {pipeline_mode = #tpu.pipeline_mode<synchronous>, transform_indices = @transform_1, window_bounds = array<i64: 256, 256>}, {transform_indices = @transform_2, window_bounds = array<i64: 2, 1280, 16>}, {transform_indices = @transform_3, window_bounds = array<i64: 2, 1280, 128>}]} {
    %get3A = arith.constant 0 : index
    %get3A_0 = arith.constant 0 : index
    %get3A_1 = arith.constant 0 : index
    %get3A_2 = vector.load %arg3[%get3A, %get3A_0, %get3A_1] : memref<2x1280x16xf32, #tpu.memory_space<vmem>>, vector<1x1280x1xf32>
    %get3A_3 = vector.shape_cast %get3A_2 : vector<1x1280x1xf32> to vector<1280xf32>
    %add3A = arith.constant 1.000000e+00 : f32
    %add3A_4 = vector.broadcast %add3A : f32 to vector<1280xf32>
    %add3A_5 = arith.addf %add3A_4, %get3A_3 : vector<1280xf32>
    %get3A_6 = arith.constant 1 : index
    %get3A_7 = arith.constant 0 : index
    %get3A_8 = arith.constant 0 : index
    %get3A_9 = vector.load %arg3[%get3A_6, %get3A_7, %get3A_8] : memref<2x1280x16xf32, #tpu.memory_space<vmem>>, vector<1x1280x1xf32>
    %get3A_10 = vector.shape_cast %get3A_9 : vector<1x1280x1xf32> to vector<1280xf32>
    %add3A_11 = arith.addf %add3A_5, %get3A_10 : vector<1280xf32>
    %rsqrt3A = math.rsqrt %add3A_11 : vector<1280xf32>
    %get3A_12 = arith.constant 0 : index
    %get3A_13 = arith.constant 0 : index
    %get3A_14 = vector.load %arg1[%get3A_12, %get3A_13] : memref<1280x256xf32, #tpu.memory_space<vmem>>, vector<1280x256xf32>
    %get3A_15 = arith.constant 0 : index
    %get3A_16 = arith.constant 0 : index
    %get3A_17 = vector.load %arg2[%get3A_15, %get3A_16] : memref<256x256xf32, #tpu.memory_space<vmem>>, vector<256x256xf32>
    %dot_general3A = arith.constant dense<0.000000e+00> : vector<1280x256xf32>
    %dot_general3A_18 = tpu.matmul %get3A_14, %get3A_17, %dot_general3A {dimension_numbers = #tpu.dot_dimension_numbers<[1], [0], [0], [1], [0, 0, 1, 1], [], []>, transpose_lhs_hint = false} : vector<1280x256xf32>, vector<256x256xf32>, vector<1280x256xf32> -> vector<1280x256xf32>
    %broadcast_in_dim3A = vector.shape_cast %rsqrt3A : vector<1280xf32> to vector<1280x1xf32>
    %mul3A = vector.broadcast %broadcast_in_dim3A : vector<1280x1xf32> to vector<1280x256xf32>
    %mul3A_19 = arith.mulf %dot_general3A_18, %mul3A : vector<1280x256xf32>
    %slice3A = vector.extract_strided_slice %mul3A_19 {offsets = [0, 0], sizes = [1280, 128], strides = [1, 1]} : vector<1280x256xf32> to vector<1280x128xf32>
    %swap3A = arith.constant 0 : index
    %swap3A_20 = arith.constant 0 : index
    %swap3A_21 = arith.constant 0 : index
    %swap3A_22 = vector.load %arg4[%swap3A, %swap3A_20, %swap3A_21] : memref<2x1280x128xf32, #tpu.memory_space<vmem>>, vector<1x1280x128xf32>
    %swap3A_23 = vector.shape_cast %swap3A_22 : vector<1x1280x128xf32> to vector<1280x128xf32>
    %swap3A_24 = vector.shape_cast %slice3A : vector<1280x128xf32> to vector<1x1280x128xf32>
    tpu.vector_store %arg4[%swap3A, %swap3A_20, %swap3A_21], %swap3A_24 {strides = array<i32>} : memref<2x1280x128xf32, #tpu.memory_space<vmem>>, vector<1x1280x128xf32>,
    %slice3A_25 = vector.extract_strided_slice %mul3A_19 {offsets = [0, 128], sizes = [1280, 128], strides = [1, 1]} : vector<1280x256xf32> to vector<1280x128xf32>
    %swap3A_26 = arith.constant 1 : index
    %swap3A_27 = arith.constant 0 : index
    %swap3A_28 = arith.constant 0 : index
    %swap3A_29 = vector.load %arg4[%swap3A_26, %swap3A_27, %swap3A_28] : memref<2x1280x128xf32, #tpu.memory_space<vmem>>, vector<1x1280x128xf32>
    %swap3A_30 = vector.shape_cast %swap3A_29 : vector<1x1280x128xf32> to vector<1280x128xf32>
    %swap3A_31 = vector.shape_cast %slice3A_25 : vector<1280x128xf32> to vector<1x1280x128xf32>
    tpu.vector_store %arg4[%swap3A_26, %swap3A_27, %swap3A_28], %swap3A_31 {strides = array<i32>} : memref<2x1280x128xf32, #tpu.memory_space<vmem>>, vector<1x1280x128xf32>,
    return
  }
  func.func @transform_0(%arg0: i32) -> (i32, i32) {
    %c0_i32 = arith.constant 0 : i32
    %c0_i32_0 = arith.constant 0 : i32
    return %arg0, %c0_i32 : i32, i32
  }
  func.func @transform_1(%arg0: i32) -> (i32, i32) {
    %c0_i32 = arith.constant 0 : i32
    %c0_i32_0 = arith.constant 0 : i32
    %c0_i32_1 = arith.constant 0 : i32
    return %c0_i32, %c0_i32_0 : i32, i32
  }
  func.func @transform_2(%arg0: i32) -> (i32, i32, i32) {
    %c0_i32 = arith.constant 0 : i32
    %c0_i32_0 = arith.constant 0 : i32
    %c0_i32_1 = arith.constant 0 : i32
    return %c0_i32, %arg0, %c0_i32_0 : i32, i32, i32
  }
  func.func @transform_3(%arg0: i32) -> (i32, i32, i32) {
    %c0_i32 = arith.constant 0 : i32
    %c0_i32_0 = arith.constant 0 : i32
    %c0_i32_1 = arith.constant 0 : i32
    return %c0_i32, %arg0, %c0_i32_0 : i32, i32, i32
  }
}

module attributes {stable_mosaic.version = 14 : i64} {
  func.func @body(%arg0: i32, %arg1: memref<2x1280x128xf32, #tpu.memory_space<vmem>>, %arg2: memref<2x1280x128xf32, #tpu.memory_space<vmem>>, %arg3: memref<2x1280x16xf32, #tpu.memory_space<vmem>>, %arg4: memref<1x256xf32, #tpu.memory_space<vmem>>, %arg5: memref<1280x256xf32, #tpu.memory_space<vmem>>) attributes {dimension_semantics = [#tpu.dimension_semantics<arbitrary>], iteration_bounds = array<i64: 8>, scalar_prefetch = 0 : i64, scratch_operands = 0 : i64, tpu.core_type = #tpu.core_type<tc>, window_params = [{transform_indices = @transform_0, window_bounds = array<i64: 2, 1280, 128>}, {transform_indices = @transform_1, window_bounds = array<i64: 2, 1280, 128>}, {transform_indices = @transform_2, window_bounds = array<i64: 2, 1280, 16>}, {pipeline_mode = #tpu.pipeline_mode<synchronous>, transform_indices = @transform_3, window_bounds = array<i64: 1, 256>}, {transform_indices = @transform_4, window_bounds = array<i64: 1280, 256>}]} {
    %get3A = arith.constant 0 : index
    %get3A_0 = arith.constant 0 : index
    %get3A_1 = arith.constant 0 : index
    %get3A_2 = vector.load %arg3[%get3A, %get3A_0, %get3A_1] : memref<2x1280x16xf32, #tpu.memory_space<vmem>>, vector<1x1280x1xf32>
    %get3A_3 = vector.shape_cast %get3A_2 : vector<1x1280x1xf32> to vector<1280xf32>
    %add3A = arith.constant 1.000000e+00 : f32
    %add3A_4 = vector.broadcast %add3A : f32 to vector<1280xf32>
    %add3A_5 = arith.addf %add3A_4, %get3A_3 : vector<1280xf32>
    %get3A_6 = arith.constant 1 : index
    %get3A_7 = arith.constant 0 : index
    %get3A_8 = arith.constant 0 : index
    %get3A_9 = vector.load %arg3[%get3A_6, %get3A_7, %get3A_8] : memref<2x1280x16xf32, #tpu.memory_space<vmem>>, vector<1x1280x1xf32>
    %get3A_10 = vector.shape_cast %get3A_9 : vector<1x1280x1xf32> to vector<1280xf32>
    %add3A_11 = arith.addf %add3A_5, %get3A_10 : vector<1280xf32>
    %rsqrt3A = math.rsqrt %add3A_11 : vector<1280xf32>
    %broadcast_in_dim3A = vector.shape_cast %rsqrt3A : vector<1280xf32> to vector<1280x1xf32>
    %get3A_12 = arith.constant 0 : index
    %get3A_13 = arith.constant 0 : index
    %get3A_14 = arith.constant 0 : index
    %get3A_15 = vector.load %arg1[%get3A_12, %get3A_13, %get3A_14] : memref<2x1280x128xf32, #tpu.memory_space<vmem>>, vector<1x1280x128xf32>
    %get3A_16 = vector.shape_cast %get3A_15 : vector<1x1280x128xf32> to vector<1280x128xf32>
    %get3A_17 = arith.constant 0 : index
    %get3A_18 = arith.constant 0 : index
    %get3A_19 = arith.constant 0 : index
    %get3A_20 = vector.load %arg2[%get3A_17, %get3A_18, %get3A_19] : memref<2x1280x128xf32, #tpu.memory_space<vmem>>, vector<1x1280x128xf32>
    %get3A_21 = vector.shape_cast %get3A_20 : vector<1x1280x128xf32> to vector<1280x128xf32>
    %add3A_22 = arith.addf %get3A_16, %get3A_21 : vector<1280x128xf32>
    %mul3A = vector.broadcast %broadcast_in_dim3A : vector<1280x1xf32> to vector<1280x128xf32>
    %mul3A_23 = arith.mulf %mul3A, %add3A_22 : vector<1280x128xf32>
    %broadcast_in_dim3A_24 = vector.shape_cast %rsqrt3A : vector<1280xf32> to vector<1280x1xf32>
    %get3A_25 = arith.constant 1 : index
    %get3A_26 = arith.constant 0 : index
    %get3A_27 = arith.constant 0 : index
    %get3A_28 = vector.load %arg1[%get3A_25, %get3A_26, %get3A_27] : memref<2x1280x128xf32, #tpu.memory_space<vmem>>, vector<1x1280x128xf32>
    %get3A_29 = vector.shape_cast %get3A_28 : vector<1x1280x128xf32> to vector<1280x128xf32>
    %get3A_30 = arith.constant 1 : index
    %get3A_31 = arith.constant 0 : index
    %get3A_32 = arith.constant 0 : index
    %get3A_33 = vector.load %arg2[%get3A_30, %get3A_31, %get3A_32] : memref<2x1280x128xf32, #tpu.memory_space<vmem>>, vector<1x1280x128xf32>
    %get3A_34 = vector.shape_cast %get3A_33 : vector<1x1280x128xf32> to vector<1280x128xf32>
    %add3A_35 = arith.addf %get3A_29, %get3A_34 : vector<1280x128xf32>
    %mul3A_36 = vector.broadcast %broadcast_in_dim3A_24 : vector<1280x1xf32> to vector<1280x128xf32>
    %mul3A_37 = arith.mulf %mul3A_36, %add3A_35 : vector<1280x128xf32>
    %concatenate3A = tpu.concatenate %mul3A_23, %mul3A_37 in 1 : vector<1280x128xf32>, vector<1280x128xf32> -> vector<1280x256xf32>
    %get3A_38 = arith.constant 0 : index
    %get3A_39 = arith.constant 0 : index
    %get3A_40 = vector.load %arg4[%get3A_38, %get3A_39] : memref<1x256xf32, #tpu.memory_space<vmem>>, vector<1x256xf32>
    %add3A_41 = vector.broadcast %get3A_40 : vector<1x256xf32> to vector<1280x256xf32>
    %add3A_42 = arith.addf %concatenate3A, %add3A_41 : vector<1280x256xf32>
    %swap3A = arith.constant 0 : index
    %swap3A_43 = arith.constant 0 : index
    %swap3A_44 = vector.load %arg5[%swap3A, %swap3A_43] : memref<1280x256xf32, #tpu.memory_space<vmem>>, vector<1280x256xf32>
    tpu.vector_store %arg5[%swap3A, %swap3A_43], %add3A_42 {strides = array<i32>} : memref<1280x256xf32, #tpu.memory_space<vmem>>, vector<1280x256xf32>,
    return
  }
  func.func @transform_0(%arg0: i32) -> (i32, i32, i32) {
    %c0_i32 = arith.constant 0 : i32
    %c0_i32_0 = arith.constant 0 : i32
    %c0_i32_1 = arith.constant 0 : i32
    return %c0_i32, %arg0, %c0_i32_0 : i32, i32, i32
  }
  func.func @transform_1(%arg0: i32) -> (i32, i32, i32) {
    %c0_i32 = arith.constant 0 : i32
    %c0_i32_0 = arith.constant 0 : i32
    %c0_i32_1 = arith.constant 0 : i32
    return %c0_i32, %arg0, %c0_i32_0 : i32, i32, i32
  }
  func.func @transform_2(%arg0: i32) -> (i32, i32, i32) {
    %c0_i32 = arith.constant 0 : i32
    %c0_i32_0 = arith.constant 0 : i32
    %c0_i32_1 = arith.constant 0 : i32
    return %c0_i32, %arg0, %c0_i32_0 : i32, i32, i32
  }
  func.func @transform_3(%arg0: i32) -> (i32, i32) {
    %c0_i32 = arith.constant 0 : i32
    %c0_i32_0 = arith.constant 0 : i32
    %c0_i32_1 = arith.constant 0 : i32
    return %c0_i32, %c0_i32_0 : i32, i32
  }
  func.func @transform_4(%arg0: i32) -> (i32, i32) {
    %c0_i32 = arith.constant 0 : i32
    %c0_i32_0 = arith.constant 0 : i32
    return %arg0, %c0_i32 : i32, i32
  }
}

</mosaic_0001>

<sc_bundles>
// kernel: kernel.6.cloned.1.call-start
scs
__scs_entry_jumppad:
0x0: {  	(pc) =	sbr.rel $0x88, $3  }
0x1: {  	(tag) =	ssettag $0x0;
	lr =	simm.s32 $0x1  }
0x2: {  	[smem:$0x3F9D] =	sst lr;
	_ =	strace $0xD0000000  }
0x3: {  	_ = 	snop  }
0x4: {  	_ = 	snop  }
0x5: {  	_ = 	snop  }
0x6: {  	_ = 	snop  }
0x7: {  	_ = 	snop  }
__scs_overlays_trampoline_lowered:
0x8: {  	[smem:$0x3FAC] =	sst s0  }
0x9: {  	[smem:$0x3FAD] =	sst s1  }
0xa: {  	[smem:$0x3FAE] =	sst s2  }
0xb: {  	[smem:$0x3FAF] =	sst s3  }
0xc: {  	[smem:$0x3FB0] =	sst s4  }
0xd: {  	[smem:$0x3FB1] =	sst s5  }
0xe: {  	[smem:$0x3FB2] =	sst s6  }
0xf: {  	[smem:$0x3FB3] =	sst s7  }
0x10: {  	[smem:$0x3FB4] =	sst s8  }
0x11: {  	[smem:$0x3FB5] =	sst s9;
	s0 =	simm.s32 @!p0 $0x0  }
0x12: {  	s1 =	sld [smem:$0x3F9B];
	s0 =	simm.s32 @p0 $0x1  }
0x13: {  	[smem:$0x3FB6] =	sst s0;
	s0 =	simm.s32 @!p1 $0x0  }
0x14: {  	s2 =	sld [smem:$0x3F9A];
	s0 =	simm.s32 @p1 $0x1  }
0x15: {  	[smem:$0x3FB7] =	sst s0;
	s0 =	simm.s32 @!p2 $0x0  }
0x16: {  	s3 =	sld [smem:$0x3FDB];
	s0 =	simm.s32 @p2 $0x1  }
0x17: {  	s4 =	simm.s32 $0x1BF5;
	[smem:$0x3FB9] =	sst s0  }
0x18: {  	s0 =	sld [smem:$0x3F9C];
	_ =	swait.ge [sflag:s4], $0x0  }
0x19: {  	s7 =	sld [smem:$0x3F9D]  }
0x1a: {  	s8 =	sadd.s32 $0xFFFFE003, lr  }
0x1b: {  	s9 =	sadd.s32 $0xFFFFFEF7, lr;
	s5 =	simm.s32 $0xFFFFFFFF;
	p2 =	slt.u32 s8, $0xFFFFF086  }
0x1c: {  	p1 =	slt.u32 s9, $0xF7A;
	s5 =	simm.s32 @!p2 $0x0  }
0x1d: {  	s5 =	simm.s32 @p1 $0x1;
	p0 =	seq.s32 s7, s2  }
0x1e: {  	s7 =	smul.u32 @!p0 $0xF7A, s2;
	p2 =	seq.s32 @!p0 s5, $0x0  }
0x1f: {  	s9 =	smul.u32 $0xF7A, s1;
	s8 =	simm.s32 @!p0 $0x1BF5;
	p2 =	por !p2, p0  }
0x20: {  	[sflag:s8] =	ssyncset.s32 @!p0 $0xFFFFF086;
	s6 =	sadd.s32 @!p0 s3, s7;
	s7 =	simm.s32 @!p0 $0x108  }
0x21: {  	s3 =	sadd.s32 s3, s9;
	s6 =	sadd.s32 @!p0 $0x88, s6;
	s7 =	simm.s32 @p2 $0x1082  }
0x22: {  	[simem:s7], [sflag:s8] =	dma.local @!p0 [hbm:s6], $0xF7A  }
0x23: {  	s9 =	sor.u32 $0xD0000000, s2;
	s6 =	simm.s32 $0x108;
	_ =	swait.ge @!p0 [sflag:s8], $0x0  }
0x24: {  	s3 =	sadd.s32 $0x88, s3;
	s6 =	simm.s32 @!p1 $0x1082;
	[sflag:s4] =	ssyncset.s32 $0xFFFFF086  }
0x25: {  	[simem:s6], [sflag:s4] =	dma.local [hbm:s3], $0xF7A  }
0x26: {  	[smem:$0x3F9D] =	sst s1;
	(tag) =	ssettag s2;
	_ =	strace s9  }
0x27: {  	s1 =	sld [smem:$0x3FAD]  }
0x28: {  	s2 =	sld [smem:$0x3FAE]  }
0x29: {  	s4 =	sld [smem:$0x3FB0]  }
0x2a: {  	p0 =	seq.s32 s5, $0x0;
	s5 =	sld [smem:$0x3FB1]  }
0x2b: {  	s6 =	sld [smem:$0x3FB2]  }
0x2c: {  	s7 =	sld [smem:$0x3FB3]  }
0x2d: {  	s3 =	simm.s32 $0x108;
	s8 =	sld [smem:$0x3FB4]  }
0x2e: {  	s3 =	simm.s32 @!p0 $0x1082;
	s9 =	sld [smem:$0x3FB5]  }
0x2f: {  	lr =	sadd.s32 s0, s3;
	s0 =	sld [smem:$0x3FAC]  }
0x30: {  	s3 =	sld [smem:$0x3FAF]  }
0x31: {  	[smem:$0x3FB8] =	sst s10  }
0x32: {  	s10 =	sld [smem:$0x3FB6];
	_ =	sdelay $0x3  }
0x33: {  	p0 =	seq.s32 s10, $0x1;
	s10 =	sld [smem:$0x3FB8];
	_ =	sdelay $0x3  }
0x34: {  	[smem:$0x3FB8] =	sst s10  }
0x35: {  	s10 =	sld [smem:$0x3FB7];
	_ =	sdelay $0x3  }
0x36: {  	p1 =	seq.s32 s10, $0x1;
	s10 =	sld [smem:$0x3FB8];
	_ =	sdelay $0x3  }
0x37: {  	[smem:$0x3FB8] =	sst s10  }
0x38: {  	s10 =	sld [smem:$0x3FB9]  }
0x39: {  	_ = 	snop;
	(pc) =	sbr.ind lr, $3  }
0x3a: {  	_ = 	snop  }
0x3b: {  	_ = 	snop  }
0x3c: {  	p2 =	seq.s32 s10, $0x1;
	s10 =	sld [smem:$0x3FB8]  }
0x3d: {  	_ =	shalt  }
0x3e: {  	_ =	shalt  }
0x3f: {  	_ =	shalt  }
0x40: {  	_ =	shalt  }
0x41: {  	_ =	shalt  }
0x42: {  	_ =	shalt  }
0x43: {  	_ =	shalt  }
0x44: {  	_ =	shalt  }
0x45: {  	_ =	shalt  }
0x46: {  	_ =	shalt  }
0x47: {  	_ =	shalt  }
0x48: {  	_ =	shalt  }
0x49: {  	_ =	shalt  }
0x4a: {  	_ =	shalt  }
0x4b: {  	_ =	shalt  }
0x4c: {  	_ =	shalt  }
0x4d: {  	_ =	shalt  }
0x4e: {  	_ =	shalt  }
0x4f: {  	_ =	shalt  }
0x50: {  	_ =	shalt  }
0x51: {  	_ =	shalt  }
0x52: {  	_ =	shalt  }
0x53: {  	_ =	shalt  }
0x54: {  	_ =	shalt  }
0x55: {  	_ =	shalt  }
0x56: {  	_ =	shalt  }
0x57: {  	_ =	shalt  }
0x58: {  	_ =	shalt  }
0x59: {  	_ =	shalt  }
0x5a: {  	_ =	shalt  }
0x5b: {  	_ =	shalt  }
0x5c: {  	_ =	shalt  }
0x5d: {  	_ =	shalt  }
0x5e: {  	_ =	shalt  }
0x5f: {  	_ =	shalt  }
0x60: {  	_ =	shalt  }
0x61: {  	_ =	shalt  }
0x62: {  	_ =	shalt  }
0x63: {  	_ =	shalt  }
0x64: {  	_ =	shalt  }
0x65: {  	_ =	shalt  }
0x66: {  	_ =	shalt  }
0x67: {  	_ =	shalt  }
0x68: {  	_ =	shalt  }
0x69: {  	_ =	shalt  }
0x6a: {  	_ =	shalt  }
0x6b: {  	_ =	shalt  }
0x6c: {  	_ =	shalt  }
0x6d: {  	_ =	shalt  }
0x6e: {  	_ =	shalt  }
0x6f: {  	_ =	shalt  }
0x70: {  	_ =	shalt  }
0x71: {  	_ =	shalt  }
0x72: {  	_ =	shalt  }
0x73: {  	_ =	shalt  }
0x74: {  	_ =	shalt  }
0x75: {  	_ =	shalt  }
0x76: {  	_ =	shalt  }
0x77: {  	_ =	shalt  }
0x78: {  	_ =	shalt  }
0x79: {  	_ =	shalt  }
0x7a: {  	_ =	shalt  }
0x7b: {  	_ =	shalt  }
0x7c: {  	_ =	shalt  }
0x7d: {  	_ =	shalt  }
0x7e: {  	_ =	shalt  }
0x7f: {  	_ =	shalt  }
0x80: {  	_ =	shalt  }
0x81: {  	_ =	shalt  }
0x82: {  	_ =	shalt  }
0x83: {  	_ =	shalt  }
0x84: {  	_ =	shalt  }
0x85: {  	_ =	shalt  }
0x86: {  	_ =	shalt  }
0x87: {  	_ =	shalt  }
.Lfunc_end0:
.L_simem_size_0:
called_computation_lowered:
.L_overlay_start_0:
0x88: {  	s2 =	sld [smem:$0x3FD9]  }
0x89: {  	s3 =	sld [smem:$0x3FFE];
	_ =	sdelay $0x1  }
0x8a: {  	s1 =	srdreg.scid  }
0x8b: {  	s0 =	sand.u32 $0x1, s1  }
0x8c: {  	s16 =	sshll.u32 s0, $0xA;
	s2 =	sadd.s32 s3, s2  }
0x8d: {  	s2 =	sadd.s32 s2, s16  }
0x8e: {  	[smem:$0x3FC4] =	sst s2  }
0x8f: {  	_ = 	snop  }
0x90: {  	(tm) =	ssettm $0x1  }
0x91: {  	s17 =	sld [smem:$0x3FFB];
	_ =	sdelay $0x3  }
0x92: {  	_ =	strace s17  }
0x93: {  	s2 =	sld [smem:$0x3FFC];
	_ =	sdelay $0x3  }
0x94: {  	_ =	strace s2  }
0x95: {  	s2 =	sld [smem:$0x3FFD];
	_ =	sdelay $0x3  }
0x96: {  	_ =	strace s2  }
0x97: {  	_ =	strace $0x8FFFFFFF  }
0x98: {  	s18 =	sld [smem:$0x3FDB];
	_ =	sdelay $0x1  }
0x99: {  	s19 =	simm.s32 $_scs_section_size  }
0x9a: {  	s4 =	simm.s32 $_size__tile_overlayer_lowered;
	s5 =	simm.s32 $_tile_overlayer_lowered  }
0x9b: {  	s22 =	simm.s32 $0x1BFF;
	s21 =	sshll.u32 s5, $0x1;
	s2 =	sadd.s32 s19, s18  }
0x9c: {  	s6 =	simm.s32 $0x0;
	s20 =	sshll.u32 s4, $0x1;
	s4 =	sadd.s32 s21, s2  }
0x9d: {  	[timem:s6], [sflag:s22] =	dma.local [hbm:s4], s20  }
0x9e: {  	_ =	swait.ge [sflag:s22], s20  }
0x9f: {  	s3 =	ssub.s32 $0x0, s20;
	[sflag:s22] =	ssyncset.done $0x0  }
0xa0: {  	[sflag:s22] =	ssyncadd.s32 s3;
	_ =	sdelay $0x1  }
0xa1: {  	s23 =	simm.s32 $0x1B8B  }
0xa2: {  	_ =	swait.ge [sflag:s23], $0x1  }
0xa3: {  	[sflag:s23] =	ssyncset.done $0x0  }
0xa4: {  	s25 =	simm.s32 $0x1B8E;
	s24 =	sld [smem:$0x3FFE];
	[sflag:s23] =	ssyncadd.s32 $0xFFFFFFFF  }
0xa5: {  	s26 =	simm.s32 $execute0_lowered;
	[smem:$0x3FD2] =	sst s25  }
0xa6: {  	s4 =	sshll.u32 s26, $0x1;
	_ =	strace $0x80000046;
	[dreg:$0x1] =	wrdreg $0xFFFFFFFF  }
0xa7: {  	s28 =	simm.s32 $_size_execute0_lowered;
	s2 =	sadd.s32 s2, s4;
	[dreg:$0x0] =	wrdreg $0x0  }
0xa8: {  	s4 =	sshll.u32 s28, $0x1;
	[dreg:$0x2] =	wrdreg s2  }
0xa9: {  	[dreg:$0x3] =	wrdreg s4  }
0xaa: {  	[dreg:$0x4] =	wrdreg $0xC0  }
0xab: {  	_ =	task [dreg:s6], $0x5FFFF  }
0xac: {  	[dreg:$0x1] =	wrdreg $0xFFFFFFFF  }
0xad: {  	[dreg:$0x0] =	wrdreg $0x60  }
0xae: {  	[dreg:$0x2] =	wrdreg s24  }
0xaf: {  	[dreg:$0x3] =	wrdreg $0x0  }
0xb0: {  	[dreg:$0x4] =	wrdreg $0x9  }
0xb1: {  	_ =	task.clear_ibuf [dreg:s6], $0x5FFFF;
	_ =	strace $0x90000046  }
0xb2: {  	s29 =	simm.s32 $0x9;
	_ =	strace $0x80000048  }
0xb3: {  	_ =	swait.ge [sflag:s29], $0x1  }
0xb4: {  	[sflag:s29] =	ssyncadd.s32 $0xFFFFFFFF  }
0xb5: {  	_ =	strace $0x90000048  }
0xb6: {  	_ =	sfence  }
0xb7: {  	s30 =	sld [smem:$0x0];
	_ =	sdelay $0x2  }
0xb8: {  	s31 =	sshll.u32 s1, $0xD;
	s1 =	sshrl.u32 s1, $0x2  }
0xb9: {  	s3 =	sand.u32 $0x4000, s31;
	s1 =	sadd.s32 s1, s30  }
0xba: {  	s0 =	sor.u32 s3, s0;
	s1 =	sshll.u32 s1, $0x11  }
0xbb: {  	s0 =	sor.u32 s1, s0  }
0xbc: {  	s0 =	sadd.s32 $0x8F2B, s0  }
0xbd: {  	[sflag:s0] =	ssyncadd.remote.s32 $0x1  }
0xbe: {  	_ =	sfence.sel $0xFFFF  }
0xbf: {  	[dreg:$0x0] =	wrdreg $0xFFFFFFFF;
	(pc) =	sbr.abs _section_cstart, $3  }
0xc0: {  	[dreg:$0x1] =	wrdreg $0xFFFFFFFF  }
0xc1: {  	_ =	task.clear_ibuf [dreg:s6], $0x2FFFF;
	_ =	strace $0x9FFFFFFF  }
0xc2: {  	(tm) =	ssettm $0x7FFFFFFF  }
0xc3: {  	_ =	shalt  }
tec
execute0_lowered:
.L_overlay_start_1:
0x0: {  	(tag) =	ssettag $0x1  }
0x1: {  	s4 =	rddreg [dreg:$0x0];
	s3 =	srdreg.scid  }
0x2: {  	s1 =	rddreg [dreg:$0x1];
	s5 =	sand.u32 $0x1, s3  }
0x3: {  	s3 =	stileid.u32;
	s6 =	smul.u32 $0x2800, s5  }
0x4: {  	s0 =	rddreg [dreg:$0x2];
	s7 =	smul.u32 $0x50000, s3  }
0x5: {  	s2 =	simm.s32 $0x0;
	s11 =	simm.s32 $0x16800;
	s8 =	smul.u32 $0x28000, s5  }
0x6: {  	s15 =	simm.s32 $0x0;
	[smem:$0x7FF] =	sst s2;
	s10 =	smul.u32 $0x280, s3  }
0x7: {  	_ =	strace $0x80000047;
	s5 =	ssub.s32 $0x2, s5;
	s13 =	smul.u32 $0x2800, s3  }
0x8: {  	s31 =	sshll.u32 s3, $0x6;
	s9 =	sshrl.u32 s5, $0x1;
	s6 =	sadd.s32 s6, s4  }
0x9: {  	s7 =	sshrl.u32 s7, $0x2;
	s8 =	sadd.s32 s8, s4;
	s5 =	ssub.s32 s5, s9  }
0xa: {  	s9 =	simm.s32 $0x1A800;
	s4 =	sadd.s32 s7, s1;
	s12 =	sadd.s32 $0x6600, s8  }
0xb: {  	s6 =	sadd.s32 s10, s6;
	s5 =	smax.u32 s5, $0x1;
	s7 =	simm.s32 $0x2800  }
0xc: {  	s8 =	simm.s32 $0x1;
	s10 =	simm.s32 $0x80;
	s6 =	sadd.s32 $0x1600, s6  }
0xd: {  	v0 =	vimm.f32 $0.0e+00;
	v1 =	vimm.f32 $1.000000000e+00;
	s12 =	sadd.s32 s13, s12;
	s13 =	sor.u32 $0x1C01, s31;
	s14 =	sshrl.u32 s4, $0x3  }
.LBB2_1:
0xe: {  	s16 =	simm.s32 $0x0  }
.LBB2_2:
0xf: {  	p0 =	sne.s32 s16, $0x4FE00  }
.Ltmp0:
0x10: {  	_ = 	snop;
	(pc) =	sbr.rel @p0 .LBB2_2-.Ltmp0, $3  }
0x11: {  	_ =	sdelay $0x1  }
0x12: {  	s17 =	sshra.s32 s16, $0x2  }
0x13: {  	s16 =	sadd.s32 $0x200, s16;
	[tilespmem:s17+$0x2800] =	vst v0  }
0x14: {  	s16 =	simm.s32 $0x200;
	s17 =	simm.s32 $0x0  }
.LBB2_4:
0x15: {  	p0 =	sne.s32 s16, $0xFE00;
	[tilespmem:s17+$0x16800] =	vst v1;
	s17 =	smov.u32 s16;
	s16 =	sadd.s32 $0x200, s16  }
.Ltmp1:
0x16: {  	(pc) =	sbr.rel @p0 .LBB2_4-.Ltmp1, $2  }
0x17: {  	_ =	sdelay $0x2  }
0x18: {  	s17 =	sshra.s32 s17, $0x2  }
0x19: {  	[tilespmem:s17+$0x16800] =	vst v1  }
0x1a: {  	[spmem:s4] =	stream.linear.scatter [tilespmem:s7], [sflag:$0x1], $0x14000, $0x38;
	[tilespmem:$0x1A880] =	vst v63  }
0x1b: {  	_ =	swait.ge [sflag:s8], $0x14000  }
0x1c: {  	[sflag:s8] =	ssyncset.done $0x0  }
0x1d: {  	[sflag:s8] =	ssyncadd.s32 $0xFFFEC000  }
0x1e: {  	s16 =	sadd.s32 $0x0, s6;
	[bflag:$0x0] =	sbarrier.arrive $0xFFFF  }
0x1f: {  	[tilespmem:s9], [sflag:$0x1] =	stream.linear.gather [hbm4b:s16+s2], $0x80, $0x38;
	[tilespmem:$0x1A880] =	vst v63  }
0x20: {  	_ =	swait.ge [sflag:s8], $0x80  }
0x21: {  	[sflag:s8] =	ssyncset.done $0x0  }
0x22: {  	[sflag:s8] =	ssyncadd.s32 $0xFFFFFF80  }
0x23: {  	[spmem:s1] =	stream.indirect.scatter.add.f32 [tilespmem:s11], [sflag:$0x1], $0x10, s9, s10, $0xb8;
	[tilespmem:$0x1A880] =	vst v63  }
0x24: {  	_ =	swait.ge [sflag:s8], $0x800  }
0x25: {  	s17 =	simm.s32 $0x20;
	s16 =	simm.s32 $0x10;
	[sflag:s8] =	ssyncset.done $0x0  }
.LBB2_6:
0x26: {  	s18 =	sadd.s32 s16, s6  }
0x27: {  	[sflag:s8] =	ssyncadd.s32 $0xFFFFF800;
	s16 =	smov.u32 s17;
	s19 =	sadd.s32 $0x10, s17  }
0x28: {  	[tilespmem:s9], [sflag:$0x1] =	stream.linear.gather [hbm4b:s18+s2], $0x80, $0x38;
	[tilespmem:$0x1A880] =	vst v63  }
0x29: {  	p0 =	sne.s32 s17, $0x270;
	_ =	swait.ge [sflag:s8], $0x80  }
.Ltmp2:
0x2a: {  	[sflag:s8] =	ssyncset.done $0x0;
	(pc) =	sbr.rel @p0 .LBB2_6-.Ltmp2, $4  }
0x2b: {  	[sflag:s8] =	ssyncadd.s32 $0xFFFFFF80  }
0x2c: {  	[spmem:s1] =	stream.indirect.scatter.add.f32 [tilespmem:s11], [sflag:$0x1], $0x10, s9, s10, $0xb8;
	[tilespmem:$0x1A880] =	vst v63  }
0x2d: {  	_ =	swait.ge [sflag:s8], $0x800  }
0x2e: {  	s17 =	smov.u32 s19;
	[sflag:s8] =	ssyncset.done $0x0  }
0x2f: {  	s16 =	sadd.s32 s16, s6;
	[sflag:s8] =	ssyncadd.s32 $0xFFFFF800  }
0x30: {  	[tilespmem:s9], [sflag:$0x1] =	stream.linear.gather [hbm4b:s16+s2], $0x80, $0x38;
	[tilespmem:$0x1A880] =	vst v63  }
0x31: {  	_ =	swait.ge [sflag:s8], $0x80  }
0x32: {  	[sflag:s8] =	ssyncset.done $0x0  }
0x33: {  	[sflag:s8] =	ssyncadd.s32 $0xFFFFFF80  }
0x34: {  	[spmem:s1] =	stream.indirect.scatter.add.f32 [tilespmem:s11], [sflag:$0x1], $0x10, s9, s10, $0xb8;
	[tilespmem:$0x1A880] =	vst v63  }
0x35: {  	_ =	swait.ge [sflag:s8], $0x800  }
0x36: {  	s15 =	sadd.s32 $0x1, s15;
	[sflag:s8] =	ssyncset.done $0x0  }
0x37: {  	p0 =	sne.s32 s15, s5;
	[sflag:s8] =	ssyncadd.s32 $0xFFFFF800  }
.Ltmp3:
0x38: {  	[bflag:$0x0] =	sbarrier.arrive $0xFFFF;
	(pc) =	sbr.rel @p0 .LBB2_1-.Ltmp3, $4  }
0x39: {  	[hbm:s12], [sflag:s13] =	dma.local [spmem:s14], $0x2800  }
0x3a: {  	_ =	swait.ge [sflag:s8], $0x2800  }
0x3b: {  	[sflag:s8] =	ssyncset.done $0x0  }
0x3c: {  	[sflag:s8] =	ssyncadd.s32 $0xFFFFD800  }
0x3d: {  	_ =	sfence.sel $0x180000  }
0x3e: {  	[bflag:$0x0] =	sbarrier.arrive $0xFFFF  }
0x3f: {  	p0 =	sne.s32 s3, $0x0;
	_ =	strace $0x90000047  }
0x40: {  	s0 =	sadd.s32 @!p0 $0x100000, s0;
	[bflag:$0x2] =	sbarrier.arrive $0xFFFF  }
0x41: {  	[sflag:s0] =	ssyncadd.tile.s32 @!p0 $0x1;
	_ =	shalt  }
.Lfunc_end2:
_tile_overlayer_lowered:
.L_overlay_start_2:
0x42: {  	(tag) =	ssettag $0x2  }
0x43: {  	s0 =	rddreg [dreg:$0x0];
	s2 =	stileid.u32  }
0x44: {  	s1 =	rddreg [dreg:$0x1];
	p0 =	sne.s32 s2, $0x0  }
0x45: {  	s3 =	rddreg [dreg:$0x2];
	[bflag:$0x3] =	sbarrier.arrive $0xFFFF;
	s2 =	simm.s32 @!p0 $0x1C01  }
0x46: {  	[timem:s3], [sflag:s2] =	dma.local @!p0 [hbm:s0], s1  }
0x47: {  	s0 =	simm.s32 @!p0 $0x1  }
0x48: {  	_ =	swait.ge @!p0 [sflag:s0], s1  }
0x49: {  	s1 =	ssub.s32 @!p0 $0x0, s1;
	[sflag:s0] =	ssyncset.done @!p0 $0x0  }
0x4a: {  	[sflag:s0] =	ssyncadd.s32 @!p0 s1  }
0x4b: {  	[bflag:$0x3] =	sbarrier.arrive $0xFFFF  }
0x4c: {  	_ =	shalt  }

// kernel: kernel.9.cloned.1.call-start
scs
__scs_entry_jumppad:
0x0: {  	(pc) =	sbr.rel $0x88, $3  }
0x1: {  	(tag) =	ssettag $0x0;
	lr =	simm.s32 $0x1  }
0x2: {  	[smem:$0x3F9D] =	sst lr;
	_ =	strace $0xD0000000  }
0x3: {  	_ = 	snop  }
0x4: {  	_ = 	snop  }
0x5: {  	_ = 	snop  }
0x6: {  	_ = 	snop  }
0x7: {  	_ = 	snop  }
__scs_overlays_trampoline_lowered:
0x8: {  	[smem:$0x3FAC] =	sst s0  }
0x9: {  	[smem:$0x3FAD] =	sst s1  }
0xa: {  	[smem:$0x3FAE] =	sst s2  }
0xb: {  	[smem:$0x3FAF] =	sst s3  }
0xc: {  	[smem:$0x3FB0] =	sst s4  }
0xd: {  	[smem:$0x3FB1] =	sst s5  }
0xe: {  	[smem:$0x3FB2] =	sst s6  }
0xf: {  	[smem:$0x3FB3] =	sst s7  }
0x10: {  	[smem:$0x3FB4] =	sst s8  }
0x11: {  	[smem:$0x3FB5] =	sst s9;
	s0 =	simm.s32 @!p0 $0x0  }
0x12: {  	s1 =	sld [smem:$0x3F9B];
	s0 =	simm.s32 @p0 $0x1  }
0x13: {  	[smem:$0x3FB6] =	sst s0;
	s0 =	simm.s32 @!p1 $0x0  }
0x14: {  	s2 =	sld [smem:$0x3F9A];
	s0 =	simm.s32 @p1 $0x1  }
0x15: {  	[smem:$0x3FB7] =	sst s0;
	s0 =	simm.s32 @!p2 $0x0  }
0x16: {  	s3 =	sld [smem:$0x3FDB];
	s0 =	simm.s32 @p2 $0x1  }
0x17: {  	s4 =	simm.s32 $0x1BF5;
	[smem:$0x3FB9] =	sst s0  }
0x18: {  	s0 =	sld [smem:$0x3F9C];
	_ =	swait.ge [sflag:s4], $0x0  }
0x19: {  	s7 =	sld [smem:$0x3F9D]  }
0x1a: {  	s8 =	sadd.s32 $0xFFFFE003, lr  }
0x1b: {  	s9 =	sadd.s32 $0xFFFFFEF7, lr;
	s5 =	simm.s32 $0xFFFFFFFF;
	p2 =	slt.u32 s8, $0xFFFFF086  }
0x1c: {  	p1 =	slt.u32 s9, $0xF7A;
	s5 =	simm.s32 @!p2 $0x0  }
0x1d: {  	s5 =	simm.s32 @p1 $0x1;
	p0 =	seq.s32 s7, s2  }
0x1e: {  	s7 =	smul.u32 @!p0 $0xF7A, s2;
	p2 =	seq.s32 @!p0 s5, $0x0  }
0x1f: {  	s9 =	smul.u32 $0xF7A, s1;
	s8 =	simm.s32 @!p0 $0x1BF5;
	p2 =	por !p2, p0  }
0x20: {  	[sflag:s8] =	ssyncset.s32 @!p0 $0xFFFFF086;
	s6 =	sadd.s32 @!p0 s3, s7;
	s7 =	simm.s32 @!p0 $0x108  }
0x21: {  	s3 =	sadd.s32 s3, s9;
	s6 =	sadd.s32 @!p0 $0x88, s6;
	s7 =	simm.s32 @p2 $0x1082  }
0x22: {  	[simem:s7], [sflag:s8] =	dma.local @!p0 [hbm:s6], $0xF7A  }
0x23: {  	s9 =	sor.u32 $0xD0000000, s2;
	s6 =	simm.s32 $0x108;
	_ =	swait.ge @!p0 [sflag:s8], $0x0  }
0x24: {  	s3 =	sadd.s32 $0x88, s3;
	s6 =	simm.s32 @!p1 $0x1082;
	[sflag:s4] =	ssyncset.s32 $0xFFFFF086  }
0x25: {  	[simem:s6], [sflag:s4] =	dma.local [hbm:s3], $0xF7A  }
0x26: {  	[smem:$0x3F9D] =	sst s1;
	(tag) =	ssettag s2;
	_ =	strace s9  }
0x27: {  	s1 =	sld [smem:$0x3FAD]  }
0x28: {  	s2 =	sld [smem:$0x3FAE]  }
0x29: {  	s4 =	sld [smem:$0x3FB0]  }
0x2a: {  	p0 =	seq.s32 s5, $0x0;
	s5 =	sld [smem:$0x3FB1]  }
0x2b: {  	s6 =	sld [smem:$0x3FB2]  }
0x2c: {  	s7 =	sld [smem:$0x3FB3]  }
0x2d: {  	s3 =	simm.s32 $0x108;
	s8 =	sld [smem:$0x3FB4]  }
0x2e: {  	s3 =	simm.s32 @!p0 $0x1082;
	s9 =	sld [smem:$0x3FB5]  }
0x2f: {  	lr =	sadd.s32 s0, s3;
	s0 =	sld [smem:$0x3FAC]  }
0x30: {  	s3 =	sld [smem:$0x3FAF]  }
0x31: {  	[smem:$0x3FB8] =	sst s10  }
0x32: {  	s10 =	sld [smem:$0x3FB6];
	_ =	sdelay $0x3  }
0x33: {  	p0 =	seq.s32 s10, $0x1;
	s10 =	sld [smem:$0x3FB8];
	_ =	sdelay $0x3  }
0x34: {  	[smem:$0x3FB8] =	sst s10  }
0x35: {  	s10 =	sld [smem:$0x3FB7];
	_ =	sdelay $0x3  }
0x36: {  	p1 =	seq.s32 s10, $0x1;
	s10 =	sld [smem:$0x3FB8];
	_ =	sdelay $0x3  }
0x37: {  	[smem:$0x3FB8] =	sst s10  }
0x38: {  	s10 =	sld [smem:$0x3FB9]  }
0x39: {  	_ = 	snop;
	(pc) =	sbr.ind lr, $3  }
0x3a: {  	_ = 	snop  }
0x3b: {  	_ = 	snop  }
0x3c: {  	p2 =	seq.s32 s10, $0x1;
	s10 =	sld [smem:$0x3FB8]  }
0x3d: {  	_ =	shalt  }
0x3e: {  	_ =	shalt  }
0x3f: {  	_ =	shalt  }
0x40: {  	_ =	shalt  }
0x41: {  	_ =	shalt  }
0x42: {  	_ =	shalt  }
0x43: {  	_ =	shalt  }
0x44: {  	_ =	shalt  }
0x45: {  	_ =	shalt  }
0x46: {  	_ =	shalt  }
0x47: {  	_ =	shalt  }
0x48: {  	_ =	shalt  }
0x49: {  	_ =	shalt  }
0x4a: {  	_ =	shalt  }
0x4b: {  	_ =	shalt  }
0x4c: {  	_ =	shalt  }
0x4d: {  	_ =	shalt  }
0x4e: {  	_ =	shalt  }
0x4f: {  	_ =	shalt  }
0x50: {  	_ =	shalt  }
0x51: {  	_ =	shalt  }
0x52: {  	_ =	shalt  }
0x53: {  	_ =	shalt  }
0x54: {  	_ =	shalt  }
0x55: {  	_ =	shalt  }
0x56: {  	_ =	shalt  }
0x57: {  	_ =	shalt  }
0x58: {  	_ =	shalt  }
0x59: {  	_ =	shalt  }
0x5a: {  	_ =	shalt  }
0x5b: {  	_ =	shalt  }
0x5c: {  	_ =	shalt  }
0x5d: {  	_ =	shalt  }
0x5e: {  	_ =	shalt  }
0x5f: {  	_ =	shalt  }
0x60: {  	_ =	shalt  }
0x61: {  	_ =	shalt  }
0x62: {  	_ =	shalt  }
0x63: {  	_ =	shalt  }
0x64: {  	_ =	shalt  }
0x65: {  	_ =	shalt  }
0x66: {  	_ =	shalt  }
0x67: {  	_ =	shalt  }
0x68: {  	_ =	shalt  }
0x69: {  	_ =	shalt  }
0x6a: {  	_ =	shalt  }
0x6b: {  	_ =	shalt  }
0x6c: {  	_ =	shalt  }
0x6d: {  	_ =	shalt  }
0x6e: {  	_ =	shalt  }
0x6f: {  	_ =	shalt  }
0x70: {  	_ =	shalt  }
0x71: {  	_ =	shalt  }
0x72: {  	_ =	shalt  }
0x73: {  	_ =	shalt  }
0x74: {  	_ =	shalt  }
0x75: {  	_ =	shalt  }
0x76: {  	_ =	shalt  }
0x77: {  	_ =	shalt  }
0x78: {  	_ =	shalt  }
0x79: {  	_ =	shalt  }
0x7a: {  	_ =	shalt  }
0x7b: {  	_ =	shalt  }
0x7c: {  	_ =	shalt  }
0x7d: {  	_ =	shalt  }
0x7e: {  	_ =	shalt  }
0x7f: {  	_ =	shalt  }
0x80: {  	_ =	shalt  }
0x81: {  	_ =	shalt  }
0x82: {  	_ =	shalt  }
0x83: {  	_ =	shalt  }
0x84: {  	_ =	shalt  }
0x85: {  	_ =	shalt  }
0x86: {  	_ =	shalt  }
0x87: {  	_ =	shalt  }
.Lfunc_end0:
.L_simem_size_0:
called_computation.1_lowered:
.L_overlay_start_0:
0x88: {  	s2 =	sld [smem:$0x3FD9]  }
0x89: {  	s3 =	sld [smem:$0x3FFE];
	_ =	sdelay $0x1  }
0x8a: {  	s1 =	srdreg.scid  }
0x8b: {  	s0 =	sand.u32 $0x1, s1  }
0x8c: {  	s17 =	sshll.u32 s0, $0xA;
	s2 =	sadd.s32 s3, s2  }
0x8d: {  	s2 =	sadd.s32 s2, s17  }
0x8e: {  	[smem:$0x3FC4] =	sst s2  }
0x8f: {  	_ = 	snop  }
0x90: {  	s2 =	sld [smem:$0x3FD0];
	(tm) =	ssettm $0x1  }
0x91: {  	s18 =	sld [smem:$0x3FFB];
	_ =	sdelay $0x3  }
0x92: {  	_ =	strace s18  }
0x93: {  	s3 =	sld [smem:$0x3FFC];
	_ =	sdelay $0x3  }
0x94: {  	_ =	strace s3  }
0x95: {  	s3 =	sld [smem:$0x3FFD];
	_ =	sdelay $0x3  }
0x96: {  	_ =	strace s3  }
0x97: {  	_ =	strace $0x8FFFFFFF  }
0x98: {  	s19 =	sld [smem:$0x3FDB];
	_ =	sdelay $0x1  }
0x99: {  	s4 =	simm.s32 $_scs_section_size  }
0x9a: {  	s5 =	simm.s32 $_size__tile_overlayer_lowered;
	s6 =	simm.s32 $_tile_overlayer_lowered  }
0x9b: {  	s22 =	simm.s32 $0x1BFF;
	s21 =	sshll.u32 s6, $0x1;
	s3 =	sadd.s32 s4, s19  }
0x9c: {  	s7 =	simm.s32 $0x0;
	s20 =	sshll.u32 s5, $0x1;
	s5 =	sadd.s32 s21, s3  }
0x9d: {  	[timem:s7], [sflag:s22] =	dma.local [hbm:s5], s20  }
0x9e: {  	_ =	swait.ge [sflag:s22], s20  }
0x9f: {  	s4 =	ssub.s32 $0x0, s20;
	[sflag:s22] =	ssyncset.done $0x0  }
0xa0: {  	[sflag:s22] =	ssyncadd.s32 s4;
	_ =	sdelay $0x1  }
0xa1: {  	s23 =	simm.s32 $0x1B8B  }
0xa2: {  	_ =	swait.ge [sflag:s23], $0x1  }
0xa3: {  	[sflag:s23] =	ssyncset.done $0x0  }
0xa4: {  	s25 =	simm.s32 $0x1B8E;
	s24 =	sld [smem:$0x3FFE];
	[sflag:s23] =	ssyncadd.s32 $0xFFFFFFFF  }
0xa5: {  	s26 =	simm.s32 $execute0_lowered;
	[smem:$0x3FD2] =	sst s25  }
0xa6: {  	s5 =	sshll.u32 s26, $0x1;
	_ =	strace $0x80000049;
	[dreg:$0x1] =	wrdreg $0xFFFFFFFF  }
0xa7: {  	s28 =	simm.s32 $_size_execute0_lowered;
	s3 =	sadd.s32 s3, s5;
	[dreg:$0x0] =	wrdreg $0x0  }
0xa8: {  	s5 =	sshll.u32 s28, $0x1;
	[dreg:$0x2] =	wrdreg s3  }
0xa9: {  	[dreg:$0x3] =	wrdreg s5  }
0xaa: {  	[dreg:$0x4] =	wrdreg $0xC0  }
0xab: {  	_ =	task [dreg:s7], $0x5FFFF  }
0xac: {  	[dreg:$0x1] =	wrdreg $0xFFFFFFFF  }
0xad: {  	[dreg:$0x0] =	wrdreg $0x60  }
0xae: {  	[dreg:$0x2] =	wrdreg s2  }
0xaf: {  	[dreg:$0x3] =	wrdreg s24  }
0xb0: {  	[dreg:$0x4] =	wrdreg $0x0  }
0xb1: {  	[dreg:$0x5] =	wrdreg $0x9  }
0xb2: {  	_ =	task.clear_ibuf [dreg:s7], $0x6FFFF;
	_ =	strace $0x90000049  }
0xb3: {  	s29 =	simm.s32 $0x9;
	_ =	strace $0x8000004B  }
0xb4: {  	_ =	swait.ge [sflag:s29], $0x1  }
0xb5: {  	[sflag:s29] =	ssyncadd.s32 $0xFFFFFFFF  }
0xb6: {  	_ =	strace $0x9000004B  }
0xb7: {  	_ =	sfence  }
0xb8: {  	s30 =	sld [smem:$0x0];
	_ =	sdelay $0x2  }
0xb9: {  	s31 =	sshll.u32 s1, $0xD;
	s1 =	sshrl.u32 s1, $0x2  }
0xba: {  	s3 =	sand.u32 $0x4000, s31;
	s1 =	sadd.s32 s1, s30  }
0xbb: {  	s0 =	sor.u32 s3, s0;
	s1 =	sshll.u32 s1, $0x11  }
0xbc: {  	s0 =	sor.u32 s1, s0  }
0xbd: {  	s0 =	sadd.s32 $0x8F2B, s0  }
0xbe: {  	[sflag:s0] =	ssyncadd.remote.s32 $0x1  }
0xbf: {  	_ =	sfence.sel $0xFFFF  }
0xc0: {  	[dreg:$0x0] =	wrdreg $0xFFFFFFFF;
	(pc) =	sbr.abs _section_cstart, $3  }
0xc1: {  	[dreg:$0x1] =	wrdreg $0xFFFFFFFF  }
0xc2: {  	_ =	task.clear_ibuf [dreg:s7], $0x2FFFF;
	_ =	strace $0x9FFFFFFF  }
0xc3: {  	(tm) =	ssettm $0x7FFFFFFF  }
tec
execute0_lowered:
.L_overlay_start_1:
0x0: {  	(tag) =	ssettag $0x1  }
0x1: {  	s12 =	rddreg [dreg:$0x0]  }
0x2: {  	s5 =	rddreg [dreg:$0x1]  }
0x3: {  	s2 =	rddreg [dreg:$0x2]  }
0x4: {  	s0 =	rddreg [dreg:$0x3];
	s3 =	simm.s32 $0x0;
	s1 =	stileid.u32  }
0x5: {  	s4 =	srdreg.scid;
	s15 =	simm.s32 $0x1C000;
	s16 =	simm.s32 $0x1C080  }
0x6: {  	s17 =	simm.s32 $0x80;
	s18 =	simm.s32 $0x18000;
	s6 =	smul.u32 $0x50000, s1  }
0x7: {  	s19 =	simm.s32 $0x1;
	[smem:$0x7FF] =	sst s3;
	s13 =	smul.u32 $0x500, s1  }
0x8: {  	s4 =	sand.u32 $0x1, s4;
	s21 =	smul.u32 $0x2800, s1;
	_ =	strace $0x8000004A  }
0x9: {  	s7 =	smul.u32 $0x28000, s4;
	s8 =	ssub.s32 $0x2, s4;
	s30 =	sshrl.u32 s6, $0x2  }
0xa: {  	s11 =	sadd.s32 s13, s5;
	s31 =	sshrl.u32 s8, $0x1;
	s12 =	sadd.s32 s13, s12  }
0xb: {  	s13 =	simm.s32 $0x14000;
	s4 =	sadd.s32 s30, s2;
	s10 =	sadd.s32 s7, s5  }
0xc: {  	s14 =	ssub.s32 s8, s31;
	s11 =	sadd.s32 $0x1600, s11;
	s5 =	sadd.s32 $0x4000, s4  }
0xd: {  	s6 =	sadd.s32 $0x8000, s4;
	s7 =	sadd.s32 $0xC000, s4;
	s8 =	sadd.s32 $0x10000, s4  }
0xe: {  	s9 =	sadd.s32 $0x56600, s10;
	s20 =	sadd.s32 $0xA6600, s10;
	s10 =	smax.u32 s14, $0x1  }
0xf: {  	v0 =	vimm.f32 $0.0e+00;
	s14 =	simm.s32 $0x2;
	s20 =	sadd.s32 s21, s20;
	s21 =	simm.s32 $0x0  }
.LBB2_1:
0x10: {  	s22 =	simm.s32 $0x0;
	s23 =	simm.s32 $0x200  }
.LBB2_2:
0x11: {  	p0 =	sne.s32 s23, $0xFE00;
	[tilespmem:s22+$0x14070] =	vst v0  }
0x12: {  	[tilespmem:s22+$0x14000] =	vst v0  }
0x13: {  	[tilespmem:s22+$0x14010] =	vst v0  }
.Ltmp0:
0x14: {  	[tilespmem:s22+$0x14020] =	vst v0;
	(pc) =	sbr.rel @p0 .LBB2_2-.Ltmp0, $4  }
0x15: {  	[tilespmem:s22+$0x14030] =	vst v0  }
0x16: {  	[tilespmem:s22+$0x14040] =	vst v0  }
0x17: {  	[tilespmem:s22+$0x14050] =	vst v0  }
0x18: {  	[tilespmem:s22+$0x14060] =	vst v0;
	s22 =	sshra.s32 s23, $0x2;
	s23 =	sadd.s32 $0x200, s23  }
0x19: {  	[tilespmem:s22+$0x14070] =	vst v0  }
0x1a: {  	[tilespmem:s22+$0x14000] =	vst v0  }
0x1b: {  	[tilespmem:s22+$0x14010] =	vst v0  }
0x1c: {  	[tilespmem:s22+$0x14020] =	vst v0  }
0x1d: {  	[tilespmem:s22+$0x14030] =	vst v0  }
0x1e: {  	[tilespmem:s22+$0x14040] =	vst v0  }
0x1f: {  	[tilespmem:s22+$0x14050] =	vst v0  }
0x20: {  	[tilespmem:s22+$0x14060] =	vst v0  }
0x21: {  	[spmem:s4] =	stream.linear.scatter [tilespmem:s13], [sflag:$0x2], $0x4000, $0x38;
	[tilespmem:$0x1C100] =	vst v63  }
0x22: {  	_ =	swait.ge [sflag:s14], $0x4000  }
0x23: {  	[sflag:s14] =	ssyncset.done $0x0  }
0x24: {  	[sflag:s14] =	ssyncadd.s32 $0xFFFFC000  }
0x25: {  	[spmem:s5] =	stream.linear.scatter [tilespmem:s13], [sflag:$0x2], $0x4000, $0x38;
	[tilespmem:$0x1C100] =	vst v63  }
0x26: {  	_ =	swait.ge [sflag:s14], $0x4000  }
0x27: {  	[sflag:s14] =	ssyncset.done $0x0  }
0x28: {  	[sflag:s14] =	ssyncadd.s32 $0xFFFFC000  }
0x29: {  	[spmem:s6] =	stream.linear.scatter [tilespmem:s13], [sflag:$0x2], $0x4000, $0x38;
	[tilespmem:$0x1C100] =	vst v63  }
0x2a: {  	_ =	swait.ge [sflag:s14], $0x4000  }
0x2b: {  	[sflag:s14] =	ssyncset.done $0x0  }
0x2c: {  	[sflag:s14] =	ssyncadd.s32 $0xFFFFC000  }
0x2d: {  	[spmem:s7] =	stream.linear.scatter [tilespmem:s13], [sflag:$0x2], $0x4000, $0x38;
	[tilespmem:$0x1C100] =	vst v63  }
0x2e: {  	_ =	swait.ge [sflag:s14], $0x4000  }
0x2f: {  	[sflag:s14] =	ssyncset.done $0x0  }
0x30: {  	[sflag:s14] =	ssyncadd.s32 $0xFFFFC000  }
0x31: {  	[spmem:s8] =	stream.linear.scatter [tilespmem:s13], [sflag:$0x2], $0x4000, $0x38;
	[tilespmem:$0x1C100] =	vst v63  }
0x32: {  	_ =	swait.ge [sflag:s14], $0x4000  }
0x33: {  	[sflag:s14] =	ssyncset.done $0x0  }
0x34: {  	[sflag:s14] =	ssyncadd.s32 $0xFFFFC000  }
0x35: {  	s30 =	sadd.s32 $0x0, s12;
	[bflag:$0x0] =	sbarrier.arrive $0xFFFF  }
0x36: {  	[tilespmem:s15], [sflag:$0x2] =	stream.linear.gather [hbm4b:s30+s3], $0x80, $0x38;
	[tilespmem:$0x1C100] =	vst v63  }
0x37: {  	_ =	swait.ge [sflag:s14], $0x80  }
0x38: {  	[sflag:s14] =	ssyncset.done $0x0  }
0x39: {  	s31 =	sadd.s32 $0x0, s11;
	[sflag:s14] =	ssyncadd.s32 $0xFFFFFF80  }
0x3a: {  	[tilespmem:s16], [sflag:$0x2] =	stream.linear.gather [hbm4b:s31+s3], $0x80, $0x38;
	[tilespmem:$0x1C100] =	vst v63  }
0x3b: {  	_ =	swait.ge [sflag:s14], $0x80  }
0x3c: {  	[sflag:s14] =	ssyncset.done $0x0  }
0x3d: {  	[sflag:s14] =	ssyncadd.s32 $0xFFFFFF80  }
0x3e: {  	[tilespmem:s18], [sflag:$0x1] =	stream.indirect.gather [hbm4b:s9+s17], $0x80, s15, s17, $0xb8;
	[tilespmem:$0x1C100] =	vst v63  }
0x3f: {  	_ =	swait.ge [sflag:s19], $0x4000  }
0x40: {  	[sflag:s19] =	ssyncset.done $0x0  }
0x41: {  	[sflag:s19] =	ssyncadd.s32 $0xFFFFC000  }
0x42: {  	[spmem:s2] =	stream.indirect.scatter.add.f32 [tilespmem:s18], [sflag:$0x2], $0x80, s16, s17, $0xb8;
	[tilespmem:$0x1C100] =	vst v63  }
0x43: {  	_ =	swait.ge [sflag:s14], $0x4000  }
0x44: {  	s22 =	simm.s32 $0x10;
	s23 =	simm.s32 $0x20;
	[sflag:s14] =	ssyncset.done $0x0  }
.LBB2_4:
0x45: {  	s24 =	sadd.s32 s22, s12  }
0x46: {  	[sflag:s14] =	ssyncadd.s32 $0xFFFFC000;
	s25 =	smov.u32 s23;
	s26 =	sadd.s32 $0x10, s23  }
0x47: {  	[tilespmem:s15], [sflag:$0x2] =	stream.linear.gather [hbm4b:s24+s3], $0x80, $0x38;
	[tilespmem:$0x1C100] =	vst v63  }
0x48: {  	p0 =	sne.s32 s23, $0x4F0;
	_ =	swait.ge [sflag:s14], $0x80  }
0x49: {  	[sflag:s14] =	ssyncset.done $0x0  }
0x4a: {  	s23 =	sadd.s32 s22, s11;
	s22 =	smov.u32 s25;
	[sflag:s14] =	ssyncadd.s32 $0xFFFFFF80  }
0x4b: {  	[tilespmem:s16], [sflag:$0x2] =	stream.linear.gather [hbm4b:s23+s3], $0x80, $0x38;
	[tilespmem:$0x1C100] =	vst v63  }
0x4c: {  	_ =	swait.ge [sflag:s14], $0x80  }
0x4d: {  	[sflag:s14] =	ssyncset.done $0x0  }
0x4e: {  	[sflag:s14] =	ssyncadd.s32 $0xFFFFFF80  }
0x4f: {  	[tilespmem:s18], [sflag:$0x1] =	stream.indirect.gather [hbm4b:s9+s17], $0x80, s15, s17, $0xb8;
	[tilespmem:$0x1C100] =	vst v63  }
0x50: {  	_ =	swait.ge [sflag:s19], $0x4000  }
.Ltmp1:
0x51: {  	[sflag:s19] =	ssyncset.done $0x0;
	(pc) =	sbr.rel @p0 .LBB2_4-.Ltmp1, $4  }
0x52: {  	[sflag:s19] =	ssyncadd.s32 $0xFFFFC000  }
0x53: {  	[spmem:s2] =	stream.indirect.scatter.add.f32 [tilespmem:s18], [sflag:$0x2], $0x80, s16, s17, $0xb8;
	[tilespmem:$0x1C100] =	vst v63  }
0x54: {  	_ =	swait.ge [sflag:s14], $0x4000  }
0x55: {  	s23 =	smov.u32 s26;
	[sflag:s14] =	ssyncset.done $0x0  }
0x56: {  	s23 =	sadd.s32 s22, s12;
	[sflag:s14] =	ssyncadd.s32 $0xFFFFC000  }
0x57: {  	[tilespmem:s15], [sflag:$0x2] =	stream.linear.gather [hbm4b:s23+s3], $0x80, $0x38;
	[tilespmem:$0x1C100] =	vst v63  }
0x58: {  	_ =	swait.ge [sflag:s14], $0x80  }
0x59: {  	[sflag:s14] =	ssyncset.done $0x0  }
0x5a: {  	s29 =	sadd.s32 s22, s11;
	[sflag:s14] =	ssyncadd.s32 $0xFFFFFF80  }
0x5b: {  	[tilespmem:s16], [sflag:$0x2] =	stream.linear.gather [hbm4b:s29+s3], $0x80, $0x38;
	[tilespmem:$0x1C100] =	vst v63  }
0x5c: {  	_ =	swait.ge [sflag:s14], $0x80  }
0x5d: {  	[sflag:s14] =	ssyncset.done $0x0  }
0x5e: {  	[sflag:s14] =	ssyncadd.s32 $0xFFFFFF80  }
0x5f: {  	[tilespmem:s18], [sflag:$0x1] =	stream.indirect.gather [hbm4b:s9+s17], $0x80, s15, s17, $0xb8;
	[tilespmem:$0x1C100] =	vst v63  }
0x60: {  	_ =	swait.ge [sflag:s19], $0x4000  }
0x61: {  	[sflag:s19] =	ssyncset.done $0x0  }
0x62: {  	[sflag:s19] =	ssyncadd.s32 $0xFFFFC000  }
0x63: {  	[spmem:s2] =	stream.indirect.scatter.add.f32 [tilespmem:s18], [sflag:$0x2], $0x80, s16, s17, $0xb8;
	[tilespmem:$0x1C100] =	vst v63  }
0x64: {  	_ =	swait.ge [sflag:s14], $0x4000  }
0x65: {  	s30 =	sshll.u32 s1, $0x6;
	s21 =	sadd.s32 $0x1, s21;
	[sflag:s14] =	ssyncset.done $0x0  }
0x66: {  	s31 =	sshrl.u32 s4, $0x3;
	p0 =	sne.s32 s21, s10;
	[sflag:s14] =	ssyncadd.s32 $0xFFFFC000  }
.Ltmp2:
0x67: {  	s22 =	sor.u32 $0x1C02, s30;
	[bflag:$0x0] =	sbarrier.arrive $0xFFFF;
	(pc) =	sbr.rel @p0 .LBB2_1-.Ltmp2, $4  }
0x68: {  	[hbm:s20], [sflag:s22] =	dma.local [spmem:s31], $0x2800  }
0x69: {  	_ =	swait.ge [sflag:s14], $0x2800  }
0x6a: {  	[sflag:s14] =	ssyncset.done $0x0  }
0x6b: {  	[sflag:s14] =	ssyncadd.s32 $0xFFFFD800  }
0x6c: {  	_ =	sfence.sel $0x180000  }
0x6d: {  	[bflag:$0x0] =	sbarrier.arrive $0xFFFF  }
0x6e: {  	p0 =	sne.s32 s1, $0x0;
	_ =	strace $0x9000004A  }
0x6f: {  	s0 =	sadd.s32 @!p0 $0x100000, s0;
	[bflag:$0x2] =	sbarrier.arrive $0xFFFF  }
0x70: {  	[sflag:s0] =	ssyncadd.tile.s32 @!p0 $0x1;
	_ =	shalt  }
.Lfunc_end2:
_tile_overlayer_lowered:
.L_overlay_start_2:
0x71: {  	(tag) =	ssettag $0x2  }
0x72: {  	s0 =	rddreg [dreg:$0x0];
	s2 =	stileid.u32  }
0x73: {  	s1 =	rddreg [dreg:$0x1];
	p0 =	sne.s32 s2, $0x0  }
0x74: {  	s3 =	rddreg [dreg:$0x2];
	[bflag:$0x3] =	sbarrier.arrive $0xFFFF;
	s2 =	simm.s32 @!p0 $0x1C02  }
0x75: {  	[timem:s3], [sflag:s2] =	dma.local @!p0 [hbm:s0], s1  }
0x76: {  	s0 =	simm.s32 @!p0 $0x2  }
0x77: {  	_ =	swait.ge @!p0 [sflag:s0], s1  }
0x78: {  	s1 =	ssub.s32 @!p0 $0x0, s1;
	[sflag:s0] =	ssyncset.done @!p0 $0x0  }
0x79: {  	[sflag:s0] =	ssyncadd.s32 @!p0 s1  }
0x7a: {  	[bflag:$0x3] =	sbarrier.arrive $0xFFFF  }
0x7b: {  	_ =	shalt  }

</sc_bundles>
